<compile_context>
chip_gen: v7x
topology: tpu7x:2x2x1
jax: 0.10.2.dev20260603
libtpu: 0.0.44.dev20260713+nightly
codegen_flags: <defaults>
</compile_context>

<pallas_src>
import functools

import jax
import jax.numpy as jnp
from jax import lax
from jax.experimental import pallas as pl
from jax.experimental.pallas import tpu as pltpu
from jax.experimental.pallas import tpu_sc as plsc

NC = 2
NS = 16
NW = NC * NS
B = 128


def _round_up(a, b):
    return (a + b - 1) // b * b




def _make_deg_kernel(Np, K_CH, n_real):
    mesh = plsc.VectorSubcoreMesh(core_axis_name="c", subcore_axis_name="s")
    rpt = Np // NS

    @functools.partial(
        pl.kernel,
        out_type=(
            jax.ShapeDtypeStruct((NC, Np), jnp.float32),
            jax.ShapeDtypeStruct((NW, K_CH, B), jnp.int32),
        ),
        mesh=mesh,
        scratch_types=[
            pltpu.VMEM((K_CH, B), jnp.int32),
            pltpu.VMEM((K_CH, B), jnp.int32),
            pltpu.VMEM((K_CH, B), jnp.int32),
            pltpu.VMEM((B,), jnp.float32),
            pltpu.VMEM((rpt,), jnp.float32),
            pltpu.VMEM_SHARED((Np,), jnp.float32),
        ],
    )
    def deg_kernel(row_h, col_h, degp_h, rowp_h, row_v, col_v, rowp_v,
                   ones_v, zbuf_v, deg_sh):
        cid = lax.axis_index("c")
        sid = lax.axis_index("s")
        wid = sid * NC + cid

        z16 = jnp.zeros((16,), jnp.float32)
        o16 = jnp.ones((16,), jnp.float32)

        def zs(i, c):
            zbuf_v[pl.ds(i * 16, 16)] = z16
            return c

        lax.fori_loop(0, rpt // 16, zs, 0)
        pltpu.sync_copy(zbuf_v, deg_sh.at[pl.ds(sid * rpt, rpt)])

        def os_(i, c):
            ones_v[pl.ds(i * 16, 16)] = o16
            return c

        lax.fori_loop(0, B // 16, os_, 0)

        pltpu.sync_copy(row_h.at[wid], row_v)
        pltpu.sync_copy(col_h.at[wid], col_v)

        nsub = B // 16

        def cmp(i, c):
            j = i // nsub
            l = i % nsub
            r = row_v[j, pl.ds(l * 16, 16)]
            cc = col_v[j, pl.ds(l * 16, 16)]
            rowp_v[j, pl.ds(l * 16, 16)] = jnp.where(r == cc, n_real, r)
            return c

        lax.fori_loop(0, K_CH * nsub, cmp, 0)
        pltpu.sync_copy(rowp_v, rowp_h.at[wid])
        plsc.subcore_barrier()

        def chunk(j, c):
            pltpu.sync_copy(ones_v, deg_sh.at[rowp_v.at[j]], add=True)
            return c

        lax.fori_loop(0, K_CH, chunk, 0)
        plsc.subcore_barrier()
        pltpu.sync_copy(deg_sh.at[pl.ds(sid * rpt, rpt)],
                        degp_h.at[cid, pl.ds(sid * rpt, rpt)])

    return deg_kernel


def _make_prop_kernel(Np, D, K_CH):
    mesh = plsc.VectorSubcoreMesh(core_axis_name="c", subcore_axis_name="s")
    rpt = Np // NS

    @functools.partial(
        pl.kernel,
        out_type=jax.ShapeDtypeStruct((NC, Np, D), jnp.float32),
        mesh=mesh,
        scratch_types=[
            pltpu.VMEM((K_CH, B), jnp.int32),
            pltpu.VMEM((K_CH, B), jnp.int32),
            pltpu.VMEM((B, D), jnp.float32),
            pltpu.SemaphoreType.DMA,
            pltpu.VMEM_SHARED((Np, D), jnp.float32),
        ],
    )
    def prop_kernel(zeros_h, g_h, rowp_h, col_h, out_h,
                    rowp_v, col_v, rows_v, sem, acc_sh):
        cid = lax.axis_index("c")
        sid = lax.axis_index("s")
        wid = sid * NC + cid

        pltpu.sync_copy(zeros_h.at[pl.ds(sid * rpt, rpt)],
                        acc_sh.at[pl.ds(sid * rpt, rpt)])
        pltpu.sync_copy(rowp_h.at[wid], rowp_v)
        pltpu.sync_copy(col_h.at[wid], col_v)
        plsc.subcore_barrier()

        def chunk(j, c):
            pltpu.async_copy(g_h.at[rowp_v.at[j]], rows_v, sem).wait()
            pltpu.sync_copy(rows_v, acc_sh.at[col_v.at[j]], add=True)
            return c

        lax.fori_loop(0, K_CH, chunk, 0)
        plsc.subcore_barrier()
        pltpu.sync_copy(acc_sh.at[pl.ds(sid * rpt, rpt)],
                        out_h.at[cid, pl.ds(sid * rpt, rpt)])

    return prop_kernel




def _tc_pre_body(n_real, br, deg_ref, x_ref, dis_ref, g_ref):
    dsum = deg_ref[0] + deg_ref[1]
    rid = lax.broadcasted_iota(jnp.int32, (br, 1), 0) + pl.program_id(0) * br
    dval = jnp.where(rid < n_real, dsum, 0.0)
    dis = jnp.where(dval > 0, lax.rsqrt(jnp.maximum(dval, 1e-12)), 0.0)
    dis_ref[...] = dis
    g_ref[...] = dis * x_ref[...]


def _tc_mid_body(acc_ref, dis_ref, tx1_ref, g2_ref):
    dis = dis_ref[...]
    tx1 = -(dis * (acc_ref[0] + acc_ref[1]))
    tx1_ref[...] = tx1
    g2_ref[...] = dis * tx1


def _tc_layer_body(acc_ref, dis_ref, tx0_ref, tx1_ref, w_ref, b_ref,
                   h_ref, gn_ref):
    dis = dis_ref[...]
    tx0 = tx0_ref[...]
    tx2 = -2.0 * (dis * (acc_ref[0] + acc_ref[1])) - tx0
    o = jnp.dot(tx0, w_ref[0], preferred_element_type=jnp.float32)
    o = o + jnp.dot(tx1_ref[...], w_ref[1], preferred_element_type=jnp.float32)
    o = o + jnp.dot(tx2, w_ref[2], preferred_element_type=jnp.float32)
    h = jnp.maximum(o + b_ref[...], 0.0)
    h_ref[...] = h
    gn_ref[...] = dis * h


def _tc_final_body(acc_ref, dis_ref, tx0_ref, tx1_ref, w_ref, b_ref,
                   wl_ref, bl_ref, out_ref):
    dis = dis_ref[...]
    tx0 = tx0_ref[...]
    tx2 = -2.0 * (dis * (acc_ref[0] + acc_ref[1])) - tx0
    o = jnp.dot(tx0, w_ref[0], preferred_element_type=jnp.float32)
    o = o + jnp.dot(tx1_ref[...], w_ref[1], preferred_element_type=jnp.float32)
    o = o + jnp.dot(tx2, w_ref[2], preferred_element_type=jnp.float32)
    h = jnp.maximum(o + b_ref[...], 0.0)
    out_ref[...] = jnp.dot(h, wl_ref[...],
                           preferred_element_type=jnp.float32) + bl_ref[...]




def kernel(x, edge_index, W1, b1, W2, b2, Wl, bl):
    N, D = x.shape
    H = W1.shape[2]
    OUT = Wl.shape[1]
    E = edge_index.shape[1]

    BR = 1024
    Np = _round_up(N + 8, BR)
    G = Np // BR
    K_CH = -(-E // (NW * B))
    EW = K_CH * B
    Epad = NW * EW

    row = edge_index[0]
    col = edge_index[1]
    pad_e = Epad - E
    row_r = jnp.pad(row, (0, pad_e)).reshape(NW, K_CH, B)
    col_r = jnp.pad(col, (0, pad_e)).reshape(NW, K_CH, B)
    x_pad = jnp.pad(x, ((0, Np - N), (0, 0)))
    zeros_nd = jnp.zeros((Np, D), jnp.float32)

    deg_k = _make_deg_kernel(Np, K_CH, N)
    prop_k = _make_prop_kernel(Np, D, K_CH)

    degp, rowp_r = deg_k(row_r, col_r)
    deg3 = degp.reshape(NC, Np, 1)

    dis, g1 = pl.pallas_call(
        functools.partial(_tc_pre_body, N, BR),
        grid=(G,),
        in_specs=[
            pl.BlockSpec((NC, BR, 1), lambda i: (0, i, 0)),
            pl.BlockSpec((BR, D), lambda i: (i, 0)),
        ],
        out_specs=[
            pl.BlockSpec((BR, 1), lambda i: (i, 0)),
            pl.BlockSpec((BR, D), lambda i: (i, 0)),
        ],
        out_shape=[
            jax.ShapeDtypeStruct((Np, 1), jnp.float32),
            jax.ShapeDtypeStruct((Np, D), jnp.float32),
        ],
    )(deg3, x_pad)

    mid_call = pl.pallas_call(
        _tc_mid_body,
        grid=(G,),
        in_specs=[
            pl.BlockSpec((NC, BR, D), lambda i: (0, i, 0)),
            pl.BlockSpec((BR, 1), lambda i: (i, 0)),
        ],
        out_specs=[
            pl.BlockSpec((BR, D), lambda i: (i, 0)),
            pl.BlockSpec((BR, D), lambda i: (i, 0)),
        ],
        out_shape=[
            jax.ShapeDtypeStruct((Np, D), jnp.float32),
            jax.ShapeDtypeStruct((Np, D), jnp.float32),
        ],
    )

    layer_call = pl.pallas_call(
        _tc_layer_body,
        grid=(G,),
        in_specs=[
            pl.BlockSpec((NC, BR, D), lambda i: (0, i, 0)),
            pl.BlockSpec((BR, 1), lambda i: (i, 0)),
            pl.BlockSpec((BR, D), lambda i: (i, 0)),
            pl.BlockSpec((BR, D), lambda i: (i, 0)),
            pl.BlockSpec((3, D, H), lambda i: (0, 0, 0)),
            pl.BlockSpec((H,), lambda i: (0,)),
        ],
        out_specs=[
            pl.BlockSpec((BR, H), lambda i: (i, 0)),
            pl.BlockSpec((BR, H), lambda i: (i, 0)),
        ],
        out_shape=[
            jax.ShapeDtypeStruct((Np, H), jnp.float32),
            jax.ShapeDtypeStruct((Np, H), jnp.float32),
        ],
    )

    final_call = pl.pallas_call(
        _tc_final_body,
        grid=(G,),
        in_specs=[
            pl.BlockSpec((NC, BR, D), lambda i: (0, i, 0)),
            pl.BlockSpec((BR, 1), lambda i: (i, 0)),
            pl.BlockSpec((BR, D), lambda i: (i, 0)),
            pl.BlockSpec((BR, D), lambda i: (i, 0)),
            pl.BlockSpec((3, H, H), lambda i: (0, 0, 0)),
            pl.BlockSpec((H,), lambda i: (0,)),
            pl.BlockSpec((H, OUT), lambda i: (0, 0)),
            pl.BlockSpec((OUT,), lambda i: (0,)),
        ],
        out_specs=pl.BlockSpec((BR, OUT), lambda i: (i, 0)),
        out_shape=jax.ShapeDtypeStruct((Np, OUT), jnp.float32),
    )

    accA = prop_k(zeros_nd, g1, rowp_r, col_r)
    tx1, g2 = mid_call(accA, dis)
    accB = prop_k(zeros_nd, g2, rowp_r, col_r)
    h, g3 = layer_call(accB, dis, x_pad, tx1, W1, b1)

    accC = prop_k(zeros_nd, g3, rowp_r, col_r)
    ty1, g4 = mid_call(accC, dis)
    accD = prop_k(zeros_nd, g4, rowp_r, col_r)
    out = final_call(accD, dis, h, ty1, W2, b2, Wl, bl)

    return out[:N]

# --- scband reference (transcript-rebuilt; emitter-appended) ---
"""Pipeline reference for scband-cheb-35888746725726 (READ-ONLY COPY).

The authoritative reference and input builder live on the scoring server;
editing this copy changes nothing except your own understanding.
"""

import jax, jax.numpy as jnp
import numpy as np

N = 10000
E = 320000
D = 128
H = 128
K = 3  # parameters.Kco assumed = 3
OUT = 2


def setup_inputs(seed: int = 0) -> dict:
    key = jax.random.key(seed)
    ks = jax.random.split(key, 10)
    x = jax.random.normal(ks[0], (N, D), dtype=jnp.float32)
    edge_index = jax.random.randint(ks[1], (2, E), 0, N, dtype=jnp.int32)
    s1 = 1.0 / np.sqrt(D)
    s2 = 1.0 / np.sqrt(H)
    W1 = jax.random.normal(ks[2], (K, D, H), dtype=jnp.float32) * s1
    b1 = jnp.zeros((H,), dtype=jnp.float32)
    W2 = jax.random.normal(ks[3], (K, H, H), dtype=jnp.float32) * s2
    b2 = jnp.zeros((H,), dtype=jnp.float32)
    Wl = jax.random.normal(ks[4], (H, OUT), dtype=jnp.float32) * s2
    bl = jnp.zeros((OUT,), dtype=jnp.float32)
    return {"x": x, "edge_index": edge_index, "W1": W1, "b1": b1, "W2": W2, "b2": b2, "Wl": Wl, "bl": bl}


def cheb_conv(x, edge_index, W, b, lambda_max=2.0):
    # Faithful to PyG ChebConv with normalization='sym', assumed lambda_max=2.0:
    # L_hat = (2/lambda_max) * (I - D^{-1/2} A D^{-1/2}) - I
    row, col = edge_index[0], edge_index[1]
    num_nodes = x.shape[0]
    w = jnp.where(row == col, 0.0, 1.0).astype(x.dtype)  # remove self loops
    deg = jnp.zeros((num_nodes,), x.dtype).at[row].add(w)
    deg_inv_sqrt = jnp.where(deg > 0, jax.lax.rsqrt(jnp.maximum(deg, 1e-12)), 0.0)
    norm = -(2.0 / lambda_max) * deg_inv_sqrt[row] * w * deg_inv_sqrt[col]
    diag = (2.0 / lambda_max) - 1.0  # self-loop weight: (2/lmax)*1 + (-1)

    def prop(h):
        # message: norm * h_j (j = source = edge_index[0]); sum-aggregate at target = edge_index[1]
        return jnp.zeros_like(h).at[col].add(norm[:, None] * h[row]) + diag * h

    Tx0 = x
    out = Tx0 @ W[0]
    Tx1 = prop(x)
    out = out + Tx1 @ W[1]
    for k in range(2, W.shape[0]):
        Tx2 = 2.0 * prop(Tx1) - Tx0
        out = out + Tx2 @ W[k]
        Tx0, Tx1 = Tx1, Tx2
    return out + b


def reference(x, edge_index, W1, b1, W2, b2, Wl, bl):
    h = jax.nn.relu(cheb_conv(x, edge_index, W1, b1))
    h = jax.nn.relu(cheb_conv(h, edge_index, W2, b2))
    # dropout p=0.5 is identity in eval mode
    return h @ Wl + bl

if __name__ == "__main__":
    import jax
    _d = setup_inputs()
    print(jax.jit(kernel)(*tuple(_d.values())))

</pallas_src>

<mosaic_0001>
#map = affine_map<(d0, d1) -> (0, 0, 0)>
#map1 = affine_map<(d0, d1) -> (0, 0)>
module attributes {stable_mosaic.version = 14 : i64} {
  func.func @deg_kernel(%arg0: i32, %arg1: i32, %arg2: memref<32x79x128xi32, #tpu.memory_space<hbm>>, %arg3: memref<32x79x128xi32, #tpu.memory_space<hbm>>, %arg4: memref<2x10240xf32, #tpu.memory_space<hbm>>, %arg5: memref<32x79x128xi32, #tpu.memory_space<hbm>>, %arg6: memref<79x128xi32, #tpu.memory_space<vmem>>, %arg7: memref<79x128xi32, #tpu.memory_space<vmem>>, %arg8: memref<79x128xi32, #tpu.memory_space<vmem>>, %arg9: memref<128xf32, #tpu.memory_space<vmem>>, %arg10: memref<640xf32, #tpu.memory_space<vmem>>, %arg11: memref<10240xf32, #tpu.memory_space<vmem_shared>>) attributes {dimension_semantics = [#tpu.dimension_semantics<core_parallel>, #tpu.dimension_semantics<subcore_parallel>], iteration_bounds = array<i64: 2, 16>, scalar_prefetch = 0 : i64, scratch_operands = 6 : i64, tpu.core_type = #tpu.core_type<sc_vector_subcore>, window_params = [{transform_indices = #map}, {transform_indices = #map}, {transform_indices = #map1}, {transform_indices = #map}]} {
    %mul3A = arith.constant 2 : i32
    %mul3A_0 = arith.muli %arg1, %mul3A : i32
    %add3A = arith.addi %mul3A_0, %arg0 : i32
    %broadcast_in_dim3A = arith.constant 0.000000e+00 : f32
    %broadcast_in_dim3A_1 = vector.broadcast %broadcast_in_dim3A : f32 to vector<16xf32>
    %broadcast_in_dim3A_2 = arith.constant 1.000000e+00 : f32
    %broadcast_in_dim3A_3 = vector.broadcast %broadcast_in_dim3A_2 : f32 to vector<16xf32>
    %scan3A = arith.constant 0 : i32
    %scan3A_4 = arith.constant 0 : i32
    %scan3A_5 = arith.constant 40 : i32
    %scan3A_6 = arith.addi %scan3A_4, %scan3A_5 : i32
    %scan3A_7 = arith.constant 1 : i32
    scf.for %scan3A_34 = %scan3A_4 to %scan3A_6 step %scan3A_7  : i32 {
      %mul3A_35 = arith.constant 16 : i32
      %mul3A_36 = arith.muli %scan3A_34, %mul3A_35 : i32
      %swap3A = arith.index_cast %mul3A_36 : i32 to index
      %swap3A_37 = tpu.vector_load %arg10[%swap3A] {strides = array<i32>} : memref<640xf32, #tpu.memory_space<vmem>>, vector<16xf32>,
      %swap3A_38 = vector.shape_cast %swap3A_37 : vector<16xf32> to vector<16xf32>
      %swap3A_39 = vector.shape_cast %broadcast_in_dim3A_1 : vector<16xf32> to vector<16xf32>
      tpu.vector_store %arg10[%swap3A], %swap3A_39 {strides = array<i32>} : memref<640xf32, #tpu.memory_space<vmem>>, vector<16xf32>,
    }
    %scan3A_8 = arith.constant 40 : i32
    %mul3A_9 = arith.constant 640 : i32
    %mul3A_10 = arith.muli %arg1, %mul3A_9 : i32
    "tpu.region"() ({
      %run_scoped3A = tpu.sem_alloc : memref<!tpu.dma_semaphore, #tpu.memory_space<semaphore_mem>>
      %dma_start3A = tpu.memref_slice %arg11[%mul3A_10] : memref<10240xf32, #tpu.memory_space<vmem_shared>> -> memref<640xf32, #tpu.memory_space<vmem_shared>>
      %dma_start3A_34 = tpu.memref_slice %arg11[%mul3A_10] : memref<10240xf32, #tpu.memory_space<vmem_shared>> -> memref<640xf32, #tpu.memory_space<vmem_shared>>
      tpu.enqueue_dma source(%arg10 : memref<640xf32, #tpu.memory_space<vmem>>) target(%dma_start3A_34 : memref<640xf32, #tpu.memory_space<vmem_shared>>) target_semaphore(%run_scoped3A : memref<!tpu.dma_semaphore, #tpu.memory_space<semaphore_mem>>)
      %dma_wait3A = tpu.memref_slice %arg11[%mul3A_10] : memref<10240xf32, #tpu.memory_space<vmem_shared>> -> memref<640xf32, #tpu.memory_space<vmem_shared>>
      %dma_wait3A_35 = tpu.memref_slice %arg11[%mul3A_10] : memref<10240xf32, #tpu.memory_space<vmem_shared>> -> memref<640xf32, #tpu.memory_space<vmem_shared>>
      tpu.wait_dma2 semaphore(%run_scoped3A : memref<!tpu.dma_semaphore, #tpu.memory_space<semaphore_mem>>) src(%arg10 : memref<640xf32, #tpu.memory_space<vmem>>) dst(%dma_wait3A_35 : memref<640xf32, #tpu.memory_space<vmem_shared>>)
      tpu.yield
    }) : () -> ()
    %scan3A_11 = arith.constant 0 : i32
    %scan3A_12 = arith.constant 0 : i32
    %scan3A_13 = arith.constant 8 : i32
    %scan3A_14 = arith.addi %scan3A_12, %scan3A_13 : i32
    %scan3A_15 = arith.constant 1 : i32
    scf.for %scan3A_34 = %scan3A_12 to %scan3A_14 step %scan3A_15  : i32 {
      %mul3A_35 = arith.constant 16 : i32
      %mul3A_36 = arith.muli %scan3A_34, %mul3A_35 : i32
      %swap3A = arith.index_cast %mul3A_36 : i32 to index
      %swap3A_37 = tpu.vector_load %arg9[%swap3A] {strides = array<i32>} : memref<128xf32, #tpu.memory_space<vmem>>, vector<16xf32>,
      %swap3A_38 = vector.shape_cast %swap3A_37 : vector<16xf32> to vector<16xf32>
      %swap3A_39 = vector.shape_cast %broadcast_in_dim3A_3 : vector<16xf32> to vector<16xf32>
      tpu.vector_store %arg9[%swap3A], %swap3A_39 {strides = array<i32>} : memref<128xf32, #tpu.memory_space<vmem>>, vector<16xf32>,
    }
    %scan3A_16 = arith.constant 8 : i32
    "tpu.region"() ({
      %run_scoped3A = tpu.sem_alloc : memref<!tpu.dma_semaphore, #tpu.memory_space<semaphore_mem>>
      %dma_start3A = arith.constant 0 : i32
      %dma_start3A_34 = arith.constant 0 : i32
      %dma_start3A_35 = tpu.memref_slice %arg2[%add3A, %dma_start3A, %dma_start3A_34] : memref<32x79x128xi32, #tpu.memory_space<hbm>> -> memref<1x79x128xi32, #tpu.memory_space<hbm>>
      %dma_start3A_36 = tpu.memref_squeeze %dma_start3A_35 : memref<1x79x128xi32, #tpu.memory_space<hbm>> -> memref<79x128xi32, #tpu.memory_space<hbm>>
      %dma_start3A_37 = arith.constant 0 : i32
      %dma_start3A_38 = arith.constant 0 : i32
      %dma_start3A_39 = tpu.memref_slice %arg2[%add3A, %dma_start3A_37, %dma_start3A_38] : memref<32x79x128xi32, #tpu.memory_space<hbm>> -> memref<1x79x128xi32, #tpu.memory_space<hbm>>
      %dma_start3A_40 = tpu.memref_squeeze %dma_start3A_39 : memref<1x79x128xi32, #tpu.memory_space<hbm>> -> memref<79x128xi32, #tpu.memory_space<hbm>>
      tpu.enqueue_dma source(%dma_start3A_40 : memref<79x128xi32, #tpu.memory_space<hbm>>) target(%arg6 : memref<79x128xi32, #tpu.memory_space<vmem>>) target_semaphore(%run_scoped3A : memref<!tpu.dma_semaphore, #tpu.memory_space<semaphore_mem>>)
      %dma_wait3A = arith.constant 0 : i32
      %dma_wait3A_41 = arith.constant 0 : i32
      %dma_wait3A_42 = tpu.memref_slice %arg2[%add3A, %dma_wait3A, %dma_wait3A_41] : memref<32x79x128xi32, #tpu.memory_space<hbm>> -> memref<1x79x128xi32, #tpu.memory_space<hbm>>
      %dma_wait3A_43 = tpu.memref_squeeze %dma_wait3A_42 : memref<1x79x128xi32, #tpu.memory_space<hbm>> -> memref<79x128xi32, #tpu.memory_space<hbm>>
      %dma_wait3A_44 = arith.constant 0 : i32
      %dma_wait3A_45 = arith.constant 0 : i32
      %dma_wait3A_46 = tpu.memref_slice %arg2[%add3A, %dma_wait3A_44, %dma_wait3A_45] : memref<32x79x128xi32, #tpu.memory_space<hbm>> -> memref<1x79x128xi32, #tpu.memory_space<hbm>>
      %dma_wait3A_47 = tpu.memref_squeeze %dma_wait3A_46 : memref<1x79x128xi32, #tpu.memory_space<hbm>> -> memref<79x128xi32, #tpu.memory_space<hbm>>
      tpu.wait_dma2 semaphore(%run_scoped3A : memref<!tpu.dma_semaphore, #tpu.memory_space<semaphore_mem>>) src(%dma_wait3A_47 : memref<79x128xi32, #tpu.memory_space<hbm>>) dst(%arg6 : memref<79x128xi32, #tpu.memory_space<vmem>>)
      tpu.yield
    }) : () -> ()
    "tpu.region"() ({
      %run_scoped3A = tpu.sem_alloc : memref<!tpu.dma_semaphore, #tpu.memory_space<semaphore_mem>>
      %dma_start3A = arith.constant 0 : i32
      %dma_start3A_34 = arith.constant 0 : i32
      %dma_start3A_35 = tpu.memref_slice %arg3[%add3A, %dma_start3A, %dma_start3A_34] : memref<32x79x128xi32, #tpu.memory_space<hbm>> -> memref<1x79x128xi32, #tpu.memory_space<hbm>>
      %dma_start3A_36 = tpu.memref_squeeze %dma_start3A_35 : memref<1x79x128xi32, #tpu.memory_space<hbm>> -> memref<79x128xi32, #tpu.memory_space<hbm>>
      %dma_start3A_37 = arith.constant 0 : i32
      %dma_start3A_38 = arith.constant 0 : i32
      %dma_start3A_39 = tpu.memref_slice %arg3[%add3A, %dma_start3A_37, %dma_start3A_38] : memref<32x79x128xi32, #tpu.memory_space<hbm>> -> memref<1x79x128xi32, #tpu.memory_space<hbm>>
      %dma_start3A_40 = tpu.memref_squeeze %dma_start3A_39 : memref<1x79x128xi32, #tpu.memory_space<hbm>> -> memref<79x128xi32, #tpu.memory_space<hbm>>
      tpu.enqueue_dma source(%dma_start3A_40 : memref<79x128xi32, #tpu.memory_space<hbm>>) target(%arg7 : memref<79x128xi32, #tpu.memory_space<vmem>>) target_semaphore(%run_scoped3A : memref<!tpu.dma_semaphore, #tpu.memory_space<semaphore_mem>>)
      %dma_wait3A = arith.constant 0 : i32
      %dma_wait3A_41 = arith.constant 0 : i32
      %dma_wait3A_42 = tpu.memref_slice %arg3[%add3A, %dma_wait3A, %dma_wait3A_41] : memref<32x79x128xi32, #tpu.memory_space<hbm>> -> memref<1x79x128xi32, #tpu.memory_space<hbm>>
      %dma_wait3A_43 = tpu.memref_squeeze %dma_wait3A_42 : memref<1x79x128xi32, #tpu.memory_space<hbm>> -> memref<79x128xi32, #tpu.memory_space<hbm>>
      %dma_wait3A_44 = arith.constant 0 : i32
      %dma_wait3A_45 = arith.constant 0 : i32
      %dma_wait3A_46 = tpu.memref_slice %arg3[%add3A, %dma_wait3A_44, %dma_wait3A_45] : memref<32x79x128xi32, #tpu.memory_space<hbm>> -> memref<1x79x128xi32, #tpu.memory_space<hbm>>
      %dma_wait3A_47 = tpu.memref_squeeze %dma_wait3A_46 : memref<1x79x128xi32, #tpu.memory_space<hbm>> -> memref<79x128xi32, #tpu.memory_space<hbm>>
      tpu.wait_dma2 semaphore(%run_scoped3A : memref<!tpu.dma_semaphore, #tpu.memory_space<semaphore_mem>>) src(%dma_wait3A_47 : memref<79x128xi32, #tpu.memory_space<hbm>>) dst(%arg7 : memref<79x128xi32, #tpu.memory_space<vmem>>)
      tpu.yield
    }) : () -> ()
    %scan3A_17 = arith.constant 0 : i32
    %scan3A_18 = arith.constant 0 : i32
    %scan3A_19 = arith.constant 632 : i32
    %scan3A_20 = arith.addi %scan3A_18, %scan3A_19 : i32
    %scan3A_21 = arith.constant 1 : i32
    scf.for %scan3A_34 = %scan3A_18 to %scan3A_20 step %scan3A_21  : i32 {
      %jit3A = arith.constant 8 : i32
      %div3A = arith.divsi %scan3A_34, %jit3A : i32
      %sign3A = arith.constant 0 : i32
      %sign3A_35 = arith.cmpi sgt, %scan3A_34, %sign3A : i32
      %sign3A_36 = arith.extui %sign3A_35 : i1 to i32
      %sign3A_37 = arith.constant 0 : i32
      %sign3A_38 = arith.cmpi slt, %scan3A_34, %sign3A_37 : i32
      %sign3A_39 = arith.extui %sign3A_38 : i1 to i32
      %sign3A_40 = arith.subi %sign3A_36, %sign3A_39 : i32
      %sign3A_41 = arith.constant 0 : i32
      %sign3A_42 = arith.cmpi sgt, %jit3A, %sign3A_41 : i32
      %sign3A_43 = arith.extui %sign3A_42 : i1 to i32
      %sign3A_44 = arith.constant 0 : i32
      %sign3A_45 = arith.cmpi slt, %jit3A, %sign3A_44 : i32
      %sign3A_46 = arith.extui %sign3A_45 : i1 to i32
      %sign3A_47 = arith.subi %sign3A_43, %sign3A_46 : i32
      %ne3A = arith.cmpi ne, %sign3A_40, %sign3A_47 : i32
      %rem3A = arith.remsi %scan3A_34, %jit3A : i32
      %ne3A_48 = arith.constant 0 : i32
      %ne3A_49 = arith.cmpi ne, %rem3A, %ne3A_48 : i32
      %and3A = arith.andi %ne3A, %ne3A_49 : i1
      %sub3A = arith.constant 1 : i32
      %sub3A_50 = arith.subi %div3A, %sub3A : i32
      %select_n3A = arith.select %and3A, %sub3A_50, %div3A : i32
      %jit3A_51 = arith.constant 8 : i32
      %eq3A = arith.constant 0 : i32
      %eq3A_52 = arith.cmpi eq, %jit3A_51, %eq3A : i32
      %jit3A_53 = arith.constant 1 : i32
      %select_n3A_54 = arith.select %eq3A_52, %jit3A_53, %jit3A_51 : i32
      %rem3A_55 = arith.remsi %scan3A_34, %select_n3A_54 : i32
      %ne3A_56 = arith.constant 0 : i32
      %ne3A_57 = arith.cmpi ne, %rem3A_55, %ne3A_56 : i32
      %lt3A = arith.constant 0 : i32
      %lt3A_58 = arith.cmpi slt, %rem3A_55, %lt3A : i32
      %lt3A_59 = arith.constant 0 : i32
      %lt3A_60 = arith.cmpi slt, %select_n3A_54, %lt3A_59 : i32
      %ne3A_61 = arith.xori %lt3A_58, %lt3A_60 : i1
      %and3A_62 = arith.andi %ne3A_61, %ne3A_57 : i1
      %add3A_63 = arith.addi %rem3A_55, %select_n3A_54 : i32
      %select_n3A_64 = arith.select %and3A_62, %add3A_63, %rem3A_55 : i32
      %mul3A_65 = arith.constant 16 : i32
      %mul3A_66 = arith.muli %select_n3A_64, %mul3A_65 : i32
      %get3A = arith.index_cast %select_n3A : i32 to index
      %get3A_67 = arith.index_cast %mul3A_66 : i32 to index
      %get3A_68 = tpu.vector_load %arg6[%get3A, %get3A_67] {strides = array<i32>} : memref<79x128xi32, #tpu.memory_space<vmem>>, vector<1x16xi32>,
      %get3A_69 = vector.shape_cast %get3A_68 : vector<1x16xi32> to vector<16xi32>
      %mul3A_70 = arith.constant 16 : i32
      %mul3A_71 = arith.muli %select_n3A_64, %mul3A_70 : i32
      %get3A_72 = arith.index_cast %select_n3A : i32 to index
      %get3A_73 = arith.index_cast %mul3A_71 : i32 to index
      %get3A_74 = tpu.vector_load %arg7[%get3A_72, %get3A_73] {strides = array<i32>} : memref<79x128xi32, #tpu.memory_space<vmem>>, vector<1x16xi32>,
      %get3A_75 = vector.shape_cast %get3A_74 : vector<1x16xi32> to vector<16xi32>
      %eq3A_76 = arith.cmpi eq, %get3A_69, %get3A_75 : vector<16xi32>
      %jit3A_77 = arith.constant 10000 : i32
      %broadcast_in_dim3A_78 = vector.broadcast %jit3A_77 : i32 to vector<16xi32>
      %select_n3A_79 = arith.select %eq3A_76, %broadcast_in_dim3A_78, %get3A_69 : vector<16xi1>, vector<16xi32>
      %mul3A_80 = arith.constant 16 : i32
      %mul3A_81 = arith.muli %select_n3A_64, %mul3A_80 : i32
      %swap3A = arith.index_cast %select_n3A : i32 to index
      %swap3A_82 = arith.index_cast %mul3A_81 : i32 to index
      %swap3A_83 = tpu.vector_load %arg8[%swap3A, %swap3A_82] {strides = array<i32>} : memref<79x128xi32, #tpu.memory_space<vmem>>, vector<1x16xi32>,
      %swap3A_84 = vector.shape_cast %swap3A_83 : vector<1x16xi32> to vector<16xi32>
      %swap3A_85 = vector.shape_cast %select_n3A_79 : vector<16xi32> to vector<1x16xi32>
      tpu.vector_store %arg8[%swap3A, %swap3A_82], %swap3A_85 {strides = array<i32>} : memref<79x128xi32, #tpu.memory_space<vmem>>, vector<1x16xi32>,
    }
    %scan3A_22 = arith.constant 632 : i32
    "tpu.region"() ({
      %run_scoped3A = tpu.sem_alloc : memref<!tpu.dma_semaphore, #tpu.memory_space<semaphore_mem>>
      %dma_start3A = arith.constant 0 : i32
      %dma_start3A_34 = arith.constant 0 : i32
      %dma_start3A_35 = tpu.memref_slice %arg5[%add3A, %dma_start3A, %dma_start3A_34] : memref<32x79x128xi32, #tpu.memory_space<hbm>> -> memref<1x79x128xi32, #tpu.memory_space<hbm>>
      %dma_start3A_36 = tpu.memref_squeeze %dma_start3A_35 : memref<1x79x128xi32, #tpu.memory_space<hbm>> -> memref<79x128xi32, #tpu.memory_space<hbm>>
      %dma_start3A_37 = arith.constant 0 : i32
      %dma_start3A_38 = arith.constant 0 : i32
      %dma_start3A_39 = tpu.memref_slice %arg5[%add3A, %dma_start3A_37, %dma_start3A_38] : memref<32x79x128xi32, #tpu.memory_space<hbm>> -> memref<1x79x128xi32, #tpu.memory_space<hbm>>
      %dma_start3A_40 = tpu.memref_squeeze %dma_start3A_39 : memref<1x79x128xi32, #tpu.memory_space<hbm>> -> memref<79x128xi32, #tpu.memory_space<hbm>>
      tpu.enqueue_dma source(%arg8 : memref<79x128xi32, #tpu.memory_space<vmem>>) target(%dma_start3A_40 : memref<79x128xi32, #tpu.memory_space<hbm>>) target_semaphore(%run_scoped3A : memref<!tpu.dma_semaphore, #tpu.memory_space<semaphore_mem>>)
      %dma_wait3A = arith.constant 0 : i32
      %dma_wait3A_41 = arith.constant 0 : i32
      %dma_wait3A_42 = tpu.memref_slice %arg5[%add3A, %dma_wait3A, %dma_wait3A_41] : memref<32x79x128xi32, #tpu.memory_space<hbm>> -> memref<1x79x128xi32, #tpu.memory_space<hbm>>
      %dma_wait3A_43 = tpu.memref_squeeze %dma_wait3A_42 : memref<1x79x128xi32, #tpu.memory_space<hbm>> -> memref<79x128xi32, #tpu.memory_space<hbm>>
      %dma_wait3A_44 = arith.constant 0 : i32
      %dma_wait3A_45 = arith.constant 0 : i32
      %dma_wait3A_46 = tpu.memref_slice %arg5[%add3A, %dma_wait3A_44, %dma_wait3A_45] : memref<32x79x128xi32, #tpu.memory_space<hbm>> -> memref<1x79x128xi32, #tpu.memory_space<hbm>>
      %dma_wait3A_47 = tpu.memref_squeeze %dma_wait3A_46 : memref<1x79x128xi32, #tpu.memory_space<hbm>> -> memref<79x128xi32, #tpu.memory_space<hbm>>
      tpu.wait_dma2 semaphore(%run_scoped3A : memref<!tpu.dma_semaphore, #tpu.memory_space<semaphore_mem>>) src(%arg8 : memref<79x128xi32, #tpu.memory_space<vmem>>) dst(%dma_wait3A_47 : memref<79x128xi32, #tpu.memory_space<hbm>>)
      tpu.yield
    }) : () -> ()
    %barrier3A = arith.constant 0 : index
    tpu.barrier barrier_id(%barrier3A)
    %scan3A_23 = arith.constant 0 : i32
    %scan3A_24 = arith.constant 0 : i32
    %scan3A_25 = arith.constant 79 : i32
    %scan3A_26 = arith.addi %scan3A_24, %scan3A_25 : i32
    %scan3A_27 = arith.constant 1 : i32
    scf.for %scan3A_34 = %scan3A_24 to %scan3A_26 step %scan3A_27  : i32 {
      "tpu.region"() ({
        %run_scoped3A = tpu.sem_alloc : memref<!tpu.dma_semaphore, #tpu.memory_space<semaphore_mem>>
        %dma_start3A = arith.constant 0 : i32
        %dma_start3A_35 = tpu.memref_slice %arg8[%scan3A_34, %dma_start3A] : memref<79x128xi32, #tpu.memory_space<vmem>> -> memref<1x128xi32, #tpu.memory_space<vmem>>
        %dma_start3A_36 = tpu.memref_squeeze %dma_start3A_35 : memref<1x128xi32, #tpu.memory_space<vmem>> -> memref<128xi32, #tpu.memory_space<vmem>>
        %dma_start3A_37 = arith.constant 0 : i32
        %dma_start3A_38 = tpu.memref_slice %arg11[%dma_start3A_37] : memref<10240xf32, #tpu.memory_space<vmem_shared>> -> memref<10240xf32, #tpu.memory_space<vmem_shared>>
        tpu.enqueue_indirect_dma source(%arg9 : memref<128xf32, #tpu.memory_space<vmem>>) target(%dma_start3A_38 : memref<10240xf32, #tpu.memory_space<vmem_shared>>) offsets(%dma_start3A_36 : memref<128xi32, #tpu.memory_space<vmem>>) semaphore(%run_scoped3A : memref<!tpu.dma_semaphore, #tpu.memory_space<semaphore_mem>>) {add = true}
        %dma_wait3A = arith.constant 0 : i32
        %dma_wait3A_39 = tpu.memref_slice %arg8[%scan3A_34, %dma_wait3A] : memref<79x128xi32, #tpu.memory_space<vmem>> -> memref<1x128xi32, #tpu.memory_space<vmem>>
        %dma_wait3A_40 = tpu.memref_squeeze %dma_wait3A_39 : memref<1x128xi32, #tpu.memory_space<vmem>> -> memref<128xi32, #tpu.memory_space<vmem>>
        %dma_wait3A_41 = arith.constant 0 : i32
        %dma_wait3A_42 = tpu.memref_slice %arg11[%dma_wait3A_41] : memref<10240xf32, #tpu.memory_space<vmem_shared>> -> memref<10240xf32, #tpu.memory_space<vmem_shared>>
        tpu.wait_indirect_dma semaphore(%run_scoped3A : memref<!tpu.dma_semaphore, #tpu.memory_space<semaphore_mem>>) src(%arg9 : memref<128xf32, #tpu.memory_space<vmem>>) dst(%dma_wait3A_42 : memref<10240xf32, #tpu.memory_space<vmem_shared>>)
        tpu.yield
      }) : () -> ()
    }
    %scan3A_28 = arith.constant 79 : i32
    %barrier3A_29 = arith.constant 0 : index
    tpu.barrier barrier_id(%barrier3A_29)
    %mul3A_30 = arith.constant 640 : i32
    %mul3A_31 = arith.muli %arg1, %mul3A_30 : i32
    %mul3A_32 = arith.constant 640 : i32
    %mul3A_33 = arith.muli %arg1, %mul3A_32 : i32
    "tpu.region"() ({
      %run_scoped3A = tpu.sem_alloc : memref<!tpu.dma_semaphore, #tpu.memory_space<semaphore_mem>>
      %dma_start3A = tpu.memref_slice %arg4[%arg0, %mul3A_33] : memref<2x10240xf32, #tpu.memory_space<hbm>> -> memref<1x640xf32, #tpu.memory_space<hbm>>
      %dma_start3A_34 = tpu.memref_squeeze %dma_start3A : memref<1x640xf32, #tpu.memory_space<hbm>> -> memref<640xf32, #tpu.memory_space<hbm>>
      %dma_start3A_35 = tpu.memref_slice %arg11[%mul3A_31] : memref<10240xf32, #tpu.memory_space<vmem_shared>> -> memref<640xf32, #tpu.memory_space<vmem_shared>>
      tpu.enqueue_dma source(%dma_start3A_35 : memref<640xf32, #tpu.memory_space<vmem_shared>>) target(%dma_start3A_34 : memref<640xf32, #tpu.memory_space<hbm>>) target_semaphore(%run_scoped3A : memref<!tpu.dma_semaphore, #tpu.memory_space<semaphore_mem>>)
      %dma_wait3A = tpu.memref_slice %arg4[%arg0, %mul3A_33] : memref<2x10240xf32, #tpu.memory_space<hbm>> -> memref<1x640xf32, #tpu.memory_space<hbm>>
      %dma_wait3A_36 = tpu.memref_squeeze %dma_wait3A : memref<1x640xf32, #tpu.memory_space<hbm>> -> memref<640xf32, #tpu.memory_space<hbm>>
      %dma_wait3A_37 = tpu.memref_slice %arg11[%mul3A_31] : memref<10240xf32, #tpu.memory_space<vmem_shared>> -> memref<640xf32, #tpu.memory_space<vmem_shared>>
      tpu.wait_dma2 semaphore(%run_scoped3A : memref<!tpu.dma_semaphore, #tpu.memory_space<semaphore_mem>>) src(%dma_wait3A_37 : memref<640xf32, #tpu.memory_space<vmem_shared>>) dst(%dma_wait3A_36 : memref<640xf32, #tpu.memory_space<hbm>>)
      tpu.yield
    }) : () -> ()
    return
  }
}

#map = affine_map<(d0, d1) -> (0, 0)>
#map1 = affine_map<(d0, d1) -> (0, 0, 0)>
module attributes {stable_mosaic.version = 14 : i64} {
  func.func @prop_kernel(%arg0: i32, %arg1: i32, %arg2: memref<10240x128xf32, #tpu.memory_space<hbm>>, %arg3: memref<10240x128xf32, #tpu.memory_space<hbm>>, %arg4: memref<32x79x128xi32, #tpu.memory_space<hbm>>, %arg5: memref<32x79x128xi32, #tpu.memory_space<hbm>>, %arg6: memref<2x10240x128xf32, #tpu.memory_space<hbm>>, %arg7: memref<79x128xi32, #tpu.memory_space<vmem>>, %arg8: memref<79x128xi32, #tpu.memory_space<vmem>>, %arg9: memref<128x128xf32, #tpu.memory_space<vmem>>, %arg10: memref<!tpu.dma_semaphore, #tpu.memory_space<semaphore_mem>>, %arg11: memref<10240x128xf32, #tpu.memory_space<vmem_shared>>) attributes {dimension_semantics = [#tpu.dimension_semantics<core_parallel>, #tpu.dimension_semantics<subcore_parallel>], iteration_bounds = array<i64: 2, 16>, scalar_prefetch = 0 : i64, scratch_operands = 5 : i64, tpu.core_type = #tpu.core_type<sc_vector_subcore>, window_params = [{transform_indices = #map}, {transform_indices = #map}, {transform_indices = #map1}, {transform_indices = #map1}, {transform_indices = #map1}]} {
    %mul3A = arith.constant 2 : i32
    %mul3A_0 = arith.muli %arg1, %mul3A : i32
    %add3A = arith.addi %mul3A_0, %arg0 : i32
    %mul3A_1 = arith.constant 640 : i32
    %mul3A_2 = arith.muli %arg1, %mul3A_1 : i32
    %mul3A_3 = arith.constant 640 : i32
    %mul3A_4 = arith.muli %arg1, %mul3A_3 : i32
    "tpu.region"() ({
      %run_scoped3A = tpu.sem_alloc : memref<!tpu.dma_semaphore, #tpu.memory_space<semaphore_mem>>
      %dma_start3A = arith.constant 0 : i32
      %dma_start3A_15 = tpu.memref_slice %arg11[%mul3A_4, %dma_start3A] : memref<10240x128xf32, #tpu.memory_space<vmem_shared>> -> memref<640x128xf32, #tpu.memory_space<vmem_shared>>
      %dma_start3A_16 = arith.constant 0 : i32
      %dma_start3A_17 = tpu.memref_slice %arg2[%mul3A_2, %dma_start3A_16] : memref<10240x128xf32, #tpu.memory_space<hbm>> -> memref<640x128xf32, #tpu.memory_space<hbm>>
      tpu.enqueue_dma source(%dma_start3A_17 : memref<640x128xf32, #tpu.memory_space<hbm>>) target(%dma_start3A_15 : memref<640x128xf32, #tpu.memory_space<vmem_shared>>) target_semaphore(%run_scoped3A : memref<!tpu.dma_semaphore, #tpu.memory_space<semaphore_mem>>)
      %dma_wait3A = arith.constant 0 : i32
      %dma_wait3A_18 = tpu.memref_slice %arg11[%mul3A_4, %dma_wait3A] : memref<10240x128xf32, #tpu.memory_space<vmem_shared>> -> memref<640x128xf32, #tpu.memory_space<vmem_shared>>
      %dma_wait3A_19 = arith.constant 0 : i32
      %dma_wait3A_20 = tpu.memref_slice %arg2[%mul3A_2, %dma_wait3A_19] : memref<10240x128xf32, #tpu.memory_space<hbm>> -> memref<640x128xf32, #tpu.memory_space<hbm>>
      tpu.wait_dma2 semaphore(%run_scoped3A : memref<!tpu.dma_semaphore, #tpu.memory_space<semaphore_mem>>) src(%dma_wait3A_20 : memref<640x128xf32, #tpu.memory_space<hbm>>) dst(%dma_wait3A_18 : memref<640x128xf32, #tpu.memory_space<vmem_shared>>)
      tpu.yield
    }) : () -> ()
    "tpu.region"() ({
      %run_scoped3A = tpu.sem_alloc : memref<!tpu.dma_semaphore, #tpu.memory_space<semaphore_mem>>
      %dma_start3A = arith.constant 0 : i32
      %dma_start3A_15 = arith.constant 0 : i32
      %dma_start3A_16 = tpu.memref_slice %arg4[%add3A, %dma_start3A, %dma_start3A_15] : memref<32x79x128xi32, #tpu.memory_space<hbm>> -> memref<1x79x128xi32, #tpu.memory_space<hbm>>
      %dma_start3A_17 = tpu.memref_squeeze %dma_start3A_16 : memref<1x79x128xi32, #tpu.memory_space<hbm>> -> memref<79x128xi32, #tpu.memory_space<hbm>>
      %dma_start3A_18 = arith.constant 0 : i32
      %dma_start3A_19 = arith.constant 0 : i32
      %dma_start3A_20 = tpu.memref_slice %arg4[%add3A, %dma_start3A_18, %dma_start3A_19] : memref<32x79x128xi32, #tpu.memory_space<hbm>> -> memref<1x79x128xi32, #tpu.memory_space<hbm>>
      %dma_start3A_21 = tpu.memref_squeeze %dma_start3A_20 : memref<1x79x128xi32, #tpu.memory_space<hbm>> -> memref<79x128xi32, #tpu.memory_space<hbm>>
      tpu.enqueue_dma source(%dma_start3A_21 : memref<79x128xi32, #tpu.memory_space<hbm>>) target(%arg7 : memref<79x128xi32, #tpu.memory_space<vmem>>) target_semaphore(%run_scoped3A : memref<!tpu.dma_semaphore, #tpu.memory_space<semaphore_mem>>)
      %dma_wait3A = arith.constant 0 : i32
      %dma_wait3A_22 = arith.constant 0 : i32
      %dma_wait3A_23 = tpu.memref_slice %arg4[%add3A, %dma_wait3A, %dma_wait3A_22] : memref<32x79x128xi32, #tpu.memory_space<hbm>> -> memref<1x79x128xi32, #tpu.memory_space<hbm>>
      %dma_wait3A_24 = tpu.memref_squeeze %dma_wait3A_23 : memref<1x79x128xi32, #tpu.memory_space<hbm>> -> memref<79x128xi32, #tpu.memory_space<hbm>>
      %dma_wait3A_25 = arith.constant 0 : i32
      %dma_wait3A_26 = arith.constant 0 : i32
      %dma_wait3A_27 = tpu.memref_slice %arg4[%add3A, %dma_wait3A_25, %dma_wait3A_26] : memref<32x79x128xi32, #tpu.memory_space<hbm>> -> memref<1x79x128xi32, #tpu.memory_space<hbm>>
      %dma_wait3A_28 = tpu.memref_squeeze %dma_wait3A_27 : memref<1x79x128xi32, #tpu.memory_space<hbm>> -> memref<79x128xi32, #tpu.memory_space<hbm>>
      tpu.wait_dma2 semaphore(%run_scoped3A : memref<!tpu.dma_semaphore, #tpu.memory_space<semaphore_mem>>) src(%dma_wait3A_28 : memref<79x128xi32, #tpu.memory_space<hbm>>) dst(%arg7 : memref<79x128xi32, #tpu.memory_space<vmem>>)
      tpu.yield
    }) : () -> ()
    "tpu.region"() ({
      %run_scoped3A = tpu.sem_alloc : memref<!tpu.dma_semaphore, #tpu.memory_space<semaphore_mem>>
      %dma_start3A = arith.constant 0 : i32
      %dma_start3A_15 = arith.constant 0 : i32
      %dma_start3A_16 = tpu.memref_slice %arg5[%add3A, %dma_start3A, %dma_start3A_15] : memref<32x79x128xi32, #tpu.memory_space<hbm>> -> memref<1x79x128xi32, #tpu.memory_space<hbm>>
      %dma_start3A_17 = tpu.memref_squeeze %dma_start3A_16 : memref<1x79x128xi32, #tpu.memory_space<hbm>> -> memref<79x128xi32, #tpu.memory_space<hbm>>
      %dma_start3A_18 = arith.constant 0 : i32
      %dma_start3A_19 = arith.constant 0 : i32
      %dma_start3A_20 = tpu.memref_slice %arg5[%add3A, %dma_start3A_18, %dma_start3A_19] : memref<32x79x128xi32, #tpu.memory_space<hbm>> -> memref<1x79x128xi32, #tpu.memory_space<hbm>>
      %dma_start3A_21 = tpu.memref_squeeze %dma_start3A_20 : memref<1x79x128xi32, #tpu.memory_space<hbm>> -> memref<79x128xi32, #tpu.memory_space<hbm>>
      tpu.enqueue_dma source(%dma_start3A_21 : memref<79x128xi32, #tpu.memory_space<hbm>>) target(%arg8 : memref<79x128xi32, #tpu.memory_space<vmem>>) target_semaphore(%run_scoped3A : memref<!tpu.dma_semaphore, #tpu.memory_space<semaphore_mem>>)
      %dma_wait3A = arith.constant 0 : i32
      %dma_wait3A_22 = arith.constant 0 : i32
      %dma_wait3A_23 = tpu.memref_slice %arg5[%add3A, %dma_wait3A, %dma_wait3A_22] : memref<32x79x128xi32, #tpu.memory_space<hbm>> -> memref<1x79x128xi32, #tpu.memory_space<hbm>>
      %dma_wait3A_24 = tpu.memref_squeeze %dma_wait3A_23 : memref<1x79x128xi32, #tpu.memory_space<hbm>> -> memref<79x128xi32, #tpu.memory_space<hbm>>
      %dma_wait3A_25 = arith.constant 0 : i32
      %dma_wait3A_26 = arith.constant 0 : i32
      %dma_wait3A_27 = tpu.memref_slice %arg5[%add3A, %dma_wait3A_25, %dma_wait3A_26] : memref<32x79x128xi32, #tpu.memory_space<hbm>> -> memref<1x79x128xi32, #tpu.memory_space<hbm>>
      %dma_wait3A_28 = tpu.memref_squeeze %dma_wait3A_27 : memref<1x79x128xi32, #tpu.memory_space<hbm>> -> memref<79x128xi32, #tpu.memory_space<hbm>>
      tpu.wait_dma2 semaphore(%run_scoped3A : memref<!tpu.dma_semaphore, #tpu.memory_space<semaphore_mem>>) src(%dma_wait3A_28 : memref<79x128xi32, #tpu.memory_space<hbm>>) dst(%arg8 : memref<79x128xi32, #tpu.memory_space<vmem>>)
      tpu.yield
    }) : () -> ()
    %barrier3A = arith.constant 0 : index
    tpu.barrier barrier_id(%barrier3A)
    %scan3A = arith.constant 0 : i32
    %scan3A_5 = arith.constant 0 : i32
    %scan3A_6 = arith.constant 79 : i32
    %scan3A_7 = arith.addi %scan3A_5, %scan3A_6 : i32
    %scan3A_8 = arith.constant 1 : i32
    scf.for %scan3A_15 = %scan3A_5 to %scan3A_7 step %scan3A_8  : i32 {
      %dma_start3A = arith.constant 0 : i32
      %dma_start3A_16 = tpu.memref_slice %arg7[%scan3A_15, %dma_start3A] : memref<79x128xi32, #tpu.memory_space<vmem>> -> memref<1x128xi32, #tpu.memory_space<vmem>>
      %dma_start3A_17 = tpu.memref_squeeze %dma_start3A_16 : memref<1x128xi32, #tpu.memory_space<vmem>> -> memref<128xi32, #tpu.memory_space<vmem>>
      %dma_start3A_18 = arith.constant 0 : i32
      %dma_start3A_19 = arith.constant 0 : i32
      %dma_start3A_20 = tpu.memref_slice %arg3[%dma_start3A_18, %dma_start3A_19] : memref<10240x128xf32, #tpu.memory_space<hbm>> -> memref<10240x128xf32, #tpu.memory_space<hbm>>
      tpu.enqueue_indirect_dma source(%dma_start3A_20 : memref<10240x128xf32, #tpu.memory_space<hbm>>) target(%arg9 : memref<128x128xf32, #tpu.memory_space<vmem>>) offsets(%dma_start3A_17 : memref<128xi32, #tpu.memory_space<vmem>>) semaphore(%arg10 : memref<!tpu.dma_semaphore, #tpu.memory_space<semaphore_mem>>)
      %dma_wait3A = arith.constant 0 : i32
      %dma_wait3A_21 = tpu.memref_slice %arg7[%scan3A_15, %dma_wait3A] : memref<79x128xi32, #tpu.memory_space<vmem>> -> memref<1x128xi32, #tpu.memory_space<vmem>>
      %dma_wait3A_22 = tpu.memref_squeeze %dma_wait3A_21 : memref<1x128xi32, #tpu.memory_space<vmem>> -> memref<128xi32, #tpu.memory_space<vmem>>
      %dma_wait3A_23 = arith.constant 0 : i32
      %dma_wait3A_24 = arith.constant 0 : i32
      %dma_wait3A_25 = tpu.memref_slice %arg3[%dma_wait3A_23, %dma_wait3A_24] : memref<10240x128xf32, #tpu.memory_space<hbm>> -> memref<10240x128xf32, #tpu.memory_space<hbm>>
      tpu.wait_indirect_dma semaphore(%arg10 : memref<!tpu.dma_semaphore, #tpu.memory_space<semaphore_mem>>) src(%dma_wait3A_25 : memref<10240x128xf32, #tpu.memory_space<hbm>>) dst(%arg9 : memref<128x128xf32, #tpu.memory_space<vmem>>)
      "tpu.region"() ({
        %run_scoped3A = tpu.sem_alloc : memref<!tpu.dma_semaphore, #tpu.memory_space<semaphore_mem>>
        %dma_start3A_26 = arith.constant 0 : i32
        %dma_start3A_27 = tpu.memref_slice %arg8[%scan3A_15, %dma_start3A_26] : memref<79x128xi32, #tpu.memory_space<vmem>> -> memref<1x128xi32, #tpu.memory_space<vmem>>
        %dma_start3A_28 = tpu.memref_squeeze %dma_start3A_27 : memref<1x128xi32, #tpu.memory_space<vmem>> -> memref<128xi32, #tpu.memory_space<vmem>>
        %dma_start3A_29 = arith.constant 0 : i32
        %dma_start3A_30 = arith.constant 0 : i32
        %dma_start3A_31 = tpu.memref_slice %arg11[%dma_start3A_29, %dma_start3A_30] : memref<10240x128xf32, #tpu.memory_space<vmem_shared>> -> memref<10240x128xf32, #tpu.memory_space<vmem_shared>>
        tpu.enqueue_indirect_dma source(%arg9 : memref<128x128xf32, #tpu.memory_space<vmem>>) target(%dma_start3A_31 : memref<10240x128xf32, #tpu.memory_space<vmem_shared>>) offsets(%dma_start3A_28 : memref<128xi32, #tpu.memory_space<vmem>>) semaphore(%run_scoped3A : memref<!tpu.dma_semaphore, #tpu.memory_space<semaphore_mem>>) {add = true}
        %dma_wait3A_32 = arith.constant 0 : i32
        %dma_wait3A_33 = tpu.memref_slice %arg8[%scan3A_15, %dma_wait3A_32] : memref<79x128xi32, #tpu.memory_space<vmem>> -> memref<1x128xi32, #tpu.memory_space<vmem>>
        %dma_wait3A_34 = tpu.memref_squeeze %dma_wait3A_33 : memref<1x128xi32, #tpu.memory_space<vmem>> -> memref<128xi32, #tpu.memory_space<vmem>>
        %dma_wait3A_35 = arith.constant 0 : i32
        %dma_wait3A_36 = arith.constant 0 : i32
        %dma_wait3A_37 = tpu.memref_slice %arg11[%dma_wait3A_35, %dma_wait3A_36] : memref<10240x128xf32, #tpu.memory_space<vmem_shared>> -> memref<10240x128xf32, #tpu.memory_space<vmem_shared>>
        tpu.wait_indirect_dma semaphore(%run_scoped3A : memref<!tpu.dma_semaphore, #tpu.memory_space<semaphore_mem>>) src(%arg9 : memref<128x128xf32, #tpu.memory_space<vmem>>) dst(%dma_wait3A_37 : memref<10240x128xf32, #tpu.memory_space<vmem_shared>>)
        tpu.yield
      }) : () -> ()
    }
    %scan3A_9 = arith.constant 79 : i32
    %barrier3A_10 = arith.constant 0 : index
    tpu.barrier barrier_id(%barrier3A_10)
    %mul3A_11 = arith.constant 640 : i32
    %mul3A_12 = arith.muli %arg1, %mul3A_11 : i32
    %mul3A_13 = arith.constant 640 : i32
    %mul3A_14 = arith.muli %arg1, %mul3A_13 : i32
    "tpu.region"() ({
      %run_scoped3A = tpu.sem_alloc : memref<!tpu.dma_semaphore, #tpu.memory_space<semaphore_mem>>
      %dma_start3A = arith.constant 0 : i32
      %dma_start3A_15 = tpu.memref_slice %arg6[%arg0, %mul3A_14, %dma_start3A] : memref<2x10240x128xf32, #tpu.memory_space<hbm>> -> memref<1x640x128xf32, #tpu.memory_space<hbm>>
      %dma_start3A_16 = tpu.memref_squeeze %dma_start3A_15 : memref<1x640x128xf32, #tpu.memory_space<hbm>> -> memref<640x128xf32, #tpu.memory_space<hbm>>
      %dma_start3A_17 = arith.constant 0 : i32
      %dma_start3A_18 = tpu.memref_slice %arg11[%mul3A_12, %dma_start3A_17] : memref<10240x128xf32, #tpu.memory_space<vmem_shared>> -> memref<640x128xf32, #tpu.memory_space<vmem_shared>>
      tpu.enqueue_dma source(%dma_start3A_18 : memref<640x128xf32, #tpu.memory_space<vmem_shared>>) target(%dma_start3A_16 : memref<640x128xf32, #tpu.memory_space<hbm>>) target_semaphore(%run_scoped3A : memref<!tpu.dma_semaphore, #tpu.memory_space<semaphore_mem>>)
      %dma_wait3A = arith.constant 0 : i32
      %dma_wait3A_19 = tpu.memref_slice %arg6[%arg0, %mul3A_14, %dma_wait3A] : memref<2x10240x128xf32, #tpu.memory_space<hbm>> -> memref<1x640x128xf32, #tpu.memory_space<hbm>>
      %dma_wait3A_20 = tpu.memref_squeeze %dma_wait3A_19 : memref<1x640x128xf32, #tpu.memory_space<hbm>> -> memref<640x128xf32, #tpu.memory_space<hbm>>
      %dma_wait3A_21 = arith.constant 0 : i32
      %dma_wait3A_22 = tpu.memref_slice %arg11[%mul3A_12, %dma_wait3A_21] : memref<10240x128xf32, #tpu.memory_space<vmem_shared>> -> memref<640x128xf32, #tpu.memory_space<vmem_shared>>
      tpu.wait_dma2 semaphore(%run_scoped3A : memref<!tpu.dma_semaphore, #tpu.memory_space<semaphore_mem>>) src(%dma_wait3A_22 : memref<640x128xf32, #tpu.memory_space<vmem_shared>>) dst(%dma_wait3A_20 : memref<640x128xf32, #tpu.memory_space<hbm>>)
      tpu.yield
    }) : () -> ()
    return
  }
}

#map = affine_map<(d0, d1) -> (0, 0)>
#map1 = affine_map<(d0, d1) -> (0, 0, 0)>
module attributes {stable_mosaic.version = 14 : i64} {
  func.func @prop_kernel(%arg0: i32, %arg1: i32, %arg2: memref<10240x128xf32, #tpu.memory_space<hbm>>, %arg3: memref<10240x128xf32, #tpu.memory_space<hbm>>, %arg4: memref<32x79x128xi32, #tpu.memory_space<hbm>>, %arg5: memref<32x79x128xi32, #tpu.memory_space<hbm>>, %arg6: memref<2x10240x128xf32, #tpu.memory_space<hbm>>, %arg7: memref<79x128xi32, #tpu.memory_space<vmem>>, %arg8: memref<79x128xi32, #tpu.memory_space<vmem>>, %arg9: memref<128x128xf32, #tpu.memory_space<vmem>>, %arg10: memref<!tpu.dma_semaphore, #tpu.memory_space<semaphore_mem>>, %arg11: memref<10240x128xf32, #tpu.memory_space<vmem_shared>>) attributes {dimension_semantics = [#tpu.dimension_semantics<core_parallel>, #tpu.dimension_semantics<subcore_parallel>], iteration_bounds = array<i64: 2, 16>, scalar_prefetch = 0 : i64, scratch_operands = 5 : i64, tpu.core_type = #tpu.core_type<sc_vector_subcore>, window_params = [{transform_indices = #map}, {transform_indices = #map}, {transform_indices = #map1}, {transform_indices = #map1}, {transform_indices = #map1}]} {
    %mul3A = arith.constant 2 : i32
    %mul3A_0 = arith.muli %arg1, %mul3A : i32
    %add3A = arith.addi %mul3A_0, %arg0 : i32
    %mul3A_1 = arith.constant 640 : i32
    %mul3A_2 = arith.muli %arg1, %mul3A_1 : i32
    %mul3A_3 = arith.constant 640 : i32
    %mul3A_4 = arith.muli %arg1, %mul3A_3 : i32
    "tpu.region"() ({
      %run_scoped3A = tpu.sem_alloc : memref<!tpu.dma_semaphore, #tpu.memory_space<semaphore_mem>>
      %dma_start3A = arith.constant 0 : i32
      %dma_start3A_15 = tpu.memref_slice %arg11[%mul3A_4, %dma_start3A] : memref<10240x128xf32, #tpu.memory_space<vmem_shared>> -> memref<640x128xf32, #tpu.memory_space<vmem_shared>>
      %dma_start3A_16 = arith.constant 0 : i32
      %dma_start3A_17 = tpu.memref_slice %arg2[%mul3A_2, %dma_start3A_16] : memref<10240x128xf32, #tpu.memory_space<hbm>> -> memref<640x128xf32, #tpu.memory_space<hbm>>
      tpu.enqueue_dma source(%dma_start3A_17 : memref<640x128xf32, #tpu.memory_space<hbm>>) target(%dma_start3A_15 : memref<640x128xf32, #tpu.memory_space<vmem_shared>>) target_semaphore(%run_scoped3A : memref<!tpu.dma_semaphore, #tpu.memory_space<semaphore_mem>>)
      %dma_wait3A = arith.constant 0 : i32
      %dma_wait3A_18 = tpu.memref_slice %arg11[%mul3A_4, %dma_wait3A] : memref<10240x128xf32, #tpu.memory_space<vmem_shared>> -> memref<640x128xf32, #tpu.memory_space<vmem_shared>>
      %dma_wait3A_19 = arith.constant 0 : i32
      %dma_wait3A_20 = tpu.memref_slice %arg2[%mul3A_2, %dma_wait3A_19] : memref<10240x128xf32, #tpu.memory_space<hbm>> -> memref<640x128xf32, #tpu.memory_space<hbm>>
      tpu.wait_dma2 semaphore(%run_scoped3A : memref<!tpu.dma_semaphore, #tpu.memory_space<semaphore_mem>>) src(%dma_wait3A_20 : memref<640x128xf32, #tpu.memory_space<hbm>>) dst(%dma_wait3A_18 : memref<640x128xf32, #tpu.memory_space<vmem_shared>>)
      tpu.yield
    }) : () -> ()
    "tpu.region"() ({
      %run_scoped3A = tpu.sem_alloc : memref<!tpu.dma_semaphore, #tpu.memory_space<semaphore_mem>>
      %dma_start3A = arith.constant 0 : i32
      %dma_start3A_15 = arith.constant 0 : i32
      %dma_start3A_16 = tpu.memref_slice %arg4[%add3A, %dma_start3A, %dma_start3A_15] : memref<32x79x128xi32, #tpu.memory_space<hbm>> -> memref<1x79x128xi32, #tpu.memory_space<hbm>>
      %dma_start3A_17 = tpu.memref_squeeze %dma_start3A_16 : memref<1x79x128xi32, #tpu.memory_space<hbm>> -> memref<79x128xi32, #tpu.memory_space<hbm>>
      %dma_start3A_18 = arith.constant 0 : i32
      %dma_start3A_19 = arith.constant 0 : i32
      %dma_start3A_20 = tpu.memref_slice %arg4[%add3A, %dma_start3A_18, %dma_start3A_19] : memref<32x79x128xi32, #tpu.memory_space<hbm>> -> memref<1x79x128xi32, #tpu.memory_space<hbm>>
      %dma_start3A_21 = tpu.memref_squeeze %dma_start3A_20 : memref<1x79x128xi32, #tpu.memory_space<hbm>> -> memref<79x128xi32, #tpu.memory_space<hbm>>
      tpu.enqueue_dma source(%dma_start3A_21 : memref<79x128xi32, #tpu.memory_space<hbm>>) target(%arg7 : memref<79x128xi32, #tpu.memory_space<vmem>>) target_semaphore(%run_scoped3A : memref<!tpu.dma_semaphore, #tpu.memory_space<semaphore_mem>>)
      %dma_wait3A = arith.constant 0 : i32
      %dma_wait3A_22 = arith.constant 0 : i32
      %dma_wait3A_23 = tpu.memref_slice %arg4[%add3A, %dma_wait3A, %dma_wait3A_22] : memref<32x79x128xi32, #tpu.memory_space<hbm>> -> memref<1x79x128xi32, #tpu.memory_space<hbm>>
      %dma_wait3A_24 = tpu.memref_squeeze %dma_wait3A_23 : memref<1x79x128xi32, #tpu.memory_space<hbm>> -> memref<79x128xi32, #tpu.memory_space<hbm>>
      %dma_wait3A_25 = arith.constant 0 : i32
      %dma_wait3A_26 = arith.constant 0 : i32
      %dma_wait3A_27 = tpu.memref_slice %arg4[%add3A, %dma_wait3A_25, %dma_wait3A_26] : memref<32x79x128xi32, #tpu.memory_space<hbm>> -> memref<1x79x128xi32, #tpu.memory_space<hbm>>
      %dma_wait3A_28 = tpu.memref_squeeze %dma_wait3A_27 : memref<1x79x128xi32, #tpu.memory_space<hbm>> -> memref<79x128xi32, #tpu.memory_space<hbm>>
      tpu.wait_dma2 semaphore(%run_scoped3A : memref<!tpu.dma_semaphore, #tpu.memory_space<semaphore_mem>>) src(%dma_wait3A_28 : memref<79x128xi32, #tpu.memory_space<hbm>>) dst(%arg7 : memref<79x128xi32, #tpu.memory_space<vmem>>)
      tpu.yield
    }) : () -> ()
    "tpu.region"() ({
      %run_scoped3A = tpu.sem_alloc : memref<!tpu.dma_semaphore, #tpu.memory_space<semaphore_mem>>
      %dma_start3A = arith.constant 0 : i32
      %dma_start3A_15 = arith.constant 0 : i32
      %dma_start3A_16 = tpu.memref_slice %arg5[%add3A, %dma_start3A, %dma_start3A_15] : memref<32x79x128xi32, #tpu.memory_space<hbm>> -> memref<1x79x128xi32, #tpu.memory_space<hbm>>
      %dma_start3A_17 = tpu.memref_squeeze %dma_start3A_16 : memref<1x79x128xi32, #tpu.memory_space<hbm>> -> memref<79x128xi32, #tpu.memory_space<hbm>>
      %dma_start3A_18 = arith.constant 0 : i32
      %dma_start3A_19 = arith.constant 0 : i32
      %dma_start3A_20 = tpu.memref_slice %arg5[%add3A, %dma_start3A_18, %dma_start3A_19] : memref<32x79x128xi32, #tpu.memory_space<hbm>> -> memref<1x79x128xi32, #tpu.memory_space<hbm>>
      %dma_start3A_21 = tpu.memref_squeeze %dma_start3A_20 : memref<1x79x128xi32, #tpu.memory_space<hbm>> -> memref<79x128xi32, #tpu.memory_space<hbm>>
      tpu.enqueue_dma source(%dma_start3A_21 : memref<79x128xi32, #tpu.memory_space<hbm>>) target(%arg8 : memref<79x128xi32, #tpu.memory_space<vmem>>) target_semaphore(%run_scoped3A : memref<!tpu.dma_semaphore, #tpu.memory_space<semaphore_mem>>)
      %dma_wait3A = arith.constant 0 : i32
      %dma_wait3A_22 = arith.constant 0 : i32
      %dma_wait3A_23 = tpu.memref_slice %arg5[%add3A, %dma_wait3A, %dma_wait3A_22] : memref<32x79x128xi32, #tpu.memory_space<hbm>> -> memref<1x79x128xi32, #tpu.memory_space<hbm>>
      %dma_wait3A_24 = tpu.memref_squeeze %dma_wait3A_23 : memref<1x79x128xi32, #tpu.memory_space<hbm>> -> memref<79x128xi32, #tpu.memory_space<hbm>>
      %dma_wait3A_25 = arith.constant 0 : i32
      %dma_wait3A_26 = arith.constant 0 : i32
      %dma_wait3A_27 = tpu.memref_slice %arg5[%add3A, %dma_wait3A_25, %dma_wait3A_26] : memref<32x79x128xi32, #tpu.memory_space<hbm>> -> memref<1x79x128xi32, #tpu.memory_space<hbm>>
      %dma_wait3A_28 = tpu.memref_squeeze %dma_wait3A_27 : memref<1x79x128xi32, #tpu.memory_space<hbm>> -> memref<79x128xi32, #tpu.memory_space<hbm>>
      tpu.wait_dma2 semaphore(%run_scoped3A : memref<!tpu.dma_semaphore, #tpu.memory_space<semaphore_mem>>) src(%dma_wait3A_28 : memref<79x128xi32, #tpu.memory_space<hbm>>) dst(%arg8 : memref<79x128xi32, #tpu.memory_space<vmem>>)
      tpu.yield
    }) : () -> ()
    %barrier3A = arith.constant 0 : index
    tpu.barrier barrier_id(%barrier3A)
    %scan3A = arith.constant 0 : i32
    %scan3A_5 = arith.constant 0 : i32
    %scan3A_6 = arith.constant 79 : i32
    %scan3A_7 = arith.addi %scan3A_5, %scan3A_6 : i32
    %scan3A_8 = arith.constant 1 : i32
    scf.for %scan3A_15 = %scan3A_5 to %scan3A_7 step %scan3A_8  : i32 {
      %dma_start3A = arith.constant 0 : i32
      %dma_start3A_16 = tpu.memref_slice %arg7[%scan3A_15, %dma_start3A] : memref<79x128xi32, #tpu.memory_space<vmem>> -> memref<1x128xi32, #tpu.memory_space<vmem>>
      %dma_start3A_17 = tpu.memref_squeeze %dma_start3A_16 : memref<1x128xi32, #tpu.memory_space<vmem>> -> memref<128xi32, #tpu.memory_space<vmem>>
      %dma_start3A_18 = arith.constant 0 : i32
      %dma_start3A_19 = arith.constant 0 : i32
      %dma_start3A_20 = tpu.memref_slice %arg3[%dma_start3A_18, %dma_start3A_19] : memref<10240x128xf32, #tpu.memory_space<hbm>> -> memref<10240x128xf32, #tpu.memory_space<hbm>>
      tpu.enqueue_indirect_dma source(%dma_start3A_20 : memref<10240x128xf32, #tpu.memory_space<hbm>>) target(%arg9 : memref<128x128xf32, #tpu.memory_space<vmem>>) offsets(%dma_start3A_17 : memref<128xi32, #tpu.memory_space<vmem>>) semaphore(%arg10 : memref<!tpu.dma_semaphore, #tpu.memory_space<semaphore_mem>>)
      %dma_wait3A = arith.constant 0 : i32
      %dma_wait3A_21 = tpu.memref_slice %arg7[%scan3A_15, %dma_wait3A] : memref<79x128xi32, #tpu.memory_space<vmem>> -> memref<1x128xi32, #tpu.memory_space<vmem>>
      %dma_wait3A_22 = tpu.memref_squeeze %dma_wait3A_21 : memref<1x128xi32, #tpu.memory_space<vmem>> -> memref<128xi32, #tpu.memory_space<vmem>>
      %dma_wait3A_23 = arith.constant 0 : i32
      %dma_wait3A_24 = arith.constant 0 : i32
      %dma_wait3A_25 = tpu.memref_slice %arg3[%dma_wait3A_23, %dma_wait3A_24] : memref<10240x128xf32, #tpu.memory_space<hbm>> -> memref<10240x128xf32, #tpu.memory_space<hbm>>
      tpu.wait_indirect_dma semaphore(%arg10 : memref<!tpu.dma_semaphore, #tpu.memory_space<semaphore_mem>>) src(%dma_wait3A_25 : memref<10240x128xf32, #tpu.memory_space<hbm>>) dst(%arg9 : memref<128x128xf32, #tpu.memory_space<vmem>>)
      "tpu.region"() ({
        %run_scoped3A = tpu.sem_alloc : memref<!tpu.dma_semaphore, #tpu.memory_space<semaphore_mem>>
        %dma_start3A_26 = arith.constant 0 : i32
        %dma_start3A_27 = tpu.memref_slice %arg8[%scan3A_15, %dma_start3A_26] : memref<79x128xi32, #tpu.memory_space<vmem>> -> memref<1x128xi32, #tpu.memory_space<vmem>>
        %dma_start3A_28 = tpu.memref_squeeze %dma_start3A_27 : memref<1x128xi32, #tpu.memory_space<vmem>> -> memref<128xi32, #tpu.memory_space<vmem>>
        %dma_start3A_29 = arith.constant 0 : i32
        %dma_start3A_30 = arith.constant 0 : i32
        %dma_start3A_31 = tpu.memref_slice %arg11[%dma_start3A_29, %dma_start3A_30] : memref<10240x128xf32, #tpu.memory_space<vmem_shared>> -> memref<10240x128xf32, #tpu.memory_space<vmem_shared>>
        tpu.enqueue_indirect_dma source(%arg9 : memref<128x128xf32, #tpu.memory_space<vmem>>) target(%dma_start3A_31 : memref<10240x128xf32, #tpu.memory_space<vmem_shared>>) offsets(%dma_start3A_28 : memref<128xi32, #tpu.memory_space<vmem>>) semaphore(%run_scoped3A : memref<!tpu.dma_semaphore, #tpu.memory_space<semaphore_mem>>) {add = true}
        %dma_wait3A_32 = arith.constant 0 : i32
        %dma_wait3A_33 = tpu.memref_slice %arg8[%scan3A_15, %dma_wait3A_32] : memref<79x128xi32, #tpu.memory_space<vmem>> -> memref<1x128xi32, #tpu.memory_space<vmem>>
        %dma_wait3A_34 = tpu.memref_squeeze %dma_wait3A_33 : memref<1x128xi32, #tpu.memory_space<vmem>> -> memref<128xi32, #tpu.memory_space<vmem>>
        %dma_wait3A_35 = arith.constant 0 : i32
        %dma_wait3A_36 = arith.constant 0 : i32
        %dma_wait3A_37 = tpu.memref_slice %arg11[%dma_wait3A_35, %dma_wait3A_36] : memref<10240x128xf32, #tpu.memory_space<vmem_shared>> -> memref<10240x128xf32, #tpu.memory_space<vmem_shared>>
        tpu.wait_indirect_dma semaphore(%run_scoped3A : memref<!tpu.dma_semaphore, #tpu.memory_space<semaphore_mem>>) src(%arg9 : memref<128x128xf32, #tpu.memory_space<vmem>>) dst(%dma_wait3A_37 : memref<10240x128xf32, #tpu.memory_space<vmem_shared>>)
        tpu.yield
      }) : () -> ()
    }
    %scan3A_9 = arith.constant 79 : i32
    %barrier3A_10 = arith.constant 0 : index
    tpu.barrier barrier_id(%barrier3A_10)
    %mul3A_11 = arith.constant 640 : i32
    %mul3A_12 = arith.muli %arg1, %mul3A_11 : i32
    %mul3A_13 = arith.constant 640 : i32
    %mul3A_14 = arith.muli %arg1, %mul3A_13 : i32
    "tpu.region"() ({
      %run_scoped3A = tpu.sem_alloc : memref<!tpu.dma_semaphore, #tpu.memory_space<semaphore_mem>>
      %dma_start3A = arith.constant 0 : i32
      %dma_start3A_15 = tpu.memref_slice %arg6[%arg0, %mul3A_14, %dma_start3A] : memref<2x10240x128xf32, #tpu.memory_space<hbm>> -> memref<1x640x128xf32, #tpu.memory_space<hbm>>
      %dma_start3A_16 = tpu.memref_squeeze %dma_start3A_15 : memref<1x640x128xf32, #tpu.memory_space<hbm>> -> memref<640x128xf32, #tpu.memory_space<hbm>>
      %dma_start3A_17 = arith.constant 0 : i32
      %dma_start3A_18 = tpu.memref_slice %arg11[%mul3A_12, %dma_start3A_17] : memref<10240x128xf32, #tpu.memory_space<vmem_shared>> -> memref<640x128xf32, #tpu.memory_space<vmem_shared>>
      tpu.enqueue_dma source(%dma_start3A_18 : memref<640x128xf32, #tpu.memory_space<vmem_shared>>) target(%dma_start3A_16 : memref<640x128xf32, #tpu.memory_space<hbm>>) target_semaphore(%run_scoped3A : memref<!tpu.dma_semaphore, #tpu.memory_space<semaphore_mem>>)
      %dma_wait3A = arith.constant 0 : i32
      %dma_wait3A_19 = tpu.memref_slice %arg6[%arg0, %mul3A_14, %dma_wait3A] : memref<2x10240x128xf32, #tpu.memory_space<hbm>> -> memref<1x640x128xf32, #tpu.memory_space<hbm>>
      %dma_wait3A_20 = tpu.memref_squeeze %dma_wait3A_19 : memref<1x640x128xf32, #tpu.memory_space<hbm>> -> memref<640x128xf32, #tpu.memory_space<hbm>>
      %dma_wait3A_21 = arith.constant 0 : i32
      %dma_wait3A_22 = tpu.memref_slice %arg11[%mul3A_12, %dma_wait3A_21] : memref<10240x128xf32, #tpu.memory_space<vmem_shared>> -> memref<640x128xf32, #tpu.memory_space<vmem_shared>>
      tpu.wait_dma2 semaphore(%run_scoped3A : memref<!tpu.dma_semaphore, #tpu.memory_space<semaphore_mem>>) src(%dma_wait3A_22 : memref<640x128xf32, #tpu.memory_space<vmem_shared>>) dst(%dma_wait3A_20 : memref<640x128xf32, #tpu.memory_space<hbm>>)
      tpu.yield
    }) : () -> ()
    return
  }
}

#map = affine_map<(d0, d1) -> (0, 0)>
#map1 = affine_map<(d0, d1) -> (0, 0, 0)>
module attributes {stable_mosaic.version = 14 : i64} {
  func.func @prop_kernel(%arg0: i32, %arg1: i32, %arg2: memref<10240x128xf32, #tpu.memory_space<hbm>>, %arg3: memref<10240x128xf32, #tpu.memory_space<hbm>>, %arg4: memref<32x79x128xi32, #tpu.memory_space<hbm>>, %arg5: memref<32x79x128xi32, #tpu.memory_space<hbm>>, %arg6: memref<2x10240x128xf32, #tpu.memory_space<hbm>>, %arg7: memref<79x128xi32, #tpu.memory_space<vmem>>, %arg8: memref<79x128xi32, #tpu.memory_space<vmem>>, %arg9: memref<128x128xf32, #tpu.memory_space<vmem>>, %arg10: memref<!tpu.dma_semaphore, #tpu.memory_space<semaphore_mem>>, %arg11: memref<10240x128xf32, #tpu.memory_space<vmem_shared>>) attributes {dimension_semantics = [#tpu.dimension_semantics<core_parallel>, #tpu.dimension_semantics<subcore_parallel>], iteration_bounds = array<i64: 2, 16>, scalar_prefetch = 0 : i64, scratch_operands = 5 : i64, tpu.core_type = #tpu.core_type<sc_vector_subcore>, window_params = [{transform_indices = #map}, {transform_indices = #map}, {transform_indices = #map1}, {transform_indices = #map1}, {transform_indices = #map1}]} {
    %mul3A = arith.constant 2 : i32
    %mul3A_0 = arith.muli %arg1, %mul3A : i32
    %add3A = arith.addi %mul3A_0, %arg0 : i32
    %mul3A_1 = arith.constant 640 : i32
    %mul3A_2 = arith.muli %arg1, %mul3A_1 : i32
    %mul3A_3 = arith.constant 640 : i32
    %mul3A_4 = arith.muli %arg1, %mul3A_3 : i32
    "tpu.region"() ({
      %run_scoped3A = tpu.sem_alloc : memref<!tpu.dma_semaphore, #tpu.memory_space<semaphore_mem>>
      %dma_start3A = arith.constant 0 : i32
      %dma_start3A_15 = tpu.memref_slice %arg11[%mul3A_4, %dma_start3A] : memref<10240x128xf32, #tpu.memory_space<vmem_shared>> -> memref<640x128xf32, #tpu.memory_space<vmem_shared>>
      %dma_start3A_16 = arith.constant 0 : i32
      %dma_start3A_17 = tpu.memref_slice %arg2[%mul3A_2, %dma_start3A_16] : memref<10240x128xf32, #tpu.memory_space<hbm>> -> memref<640x128xf32, #tpu.memory_space<hbm>>
      tpu.enqueue_dma source(%dma_start3A_17 : memref<640x128xf32, #tpu.memory_space<hbm>>) target(%dma_start3A_15 : memref<640x128xf32, #tpu.memory_space<vmem_shared>>) target_semaphore(%run_scoped3A : memref<!tpu.dma_semaphore, #tpu.memory_space<semaphore_mem>>)
      %dma_wait3A = arith.constant 0 : i32
      %dma_wait3A_18 = tpu.memref_slice %arg11[%mul3A_4, %dma_wait3A] : memref<10240x128xf32, #tpu.memory_space<vmem_shared>> -> memref<640x128xf32, #tpu.memory_space<vmem_shared>>
      %dma_wait3A_19 = arith.constant 0 : i32
      %dma_wait3A_20 = tpu.memref_slice %arg2[%mul3A_2, %dma_wait3A_19] : memref<10240x128xf32, #tpu.memory_space<hbm>> -> memref<640x128xf32, #tpu.memory_space<hbm>>
      tpu.wait_dma2 semaphore(%run_scoped3A : memref<!tpu.dma_semaphore, #tpu.memory_space<semaphore_mem>>) src(%dma_wait3A_20 : memref<640x128xf32, #tpu.memory_space<hbm>>) dst(%dma_wait3A_18 : memref<640x128xf32, #tpu.memory_space<vmem_shared>>)
      tpu.yield
    }) : () -> ()
    "tpu.region"() ({
      %run_scoped3A = tpu.sem_alloc : memref<!tpu.dma_semaphore, #tpu.memory_space<semaphore_mem>>
      %dma_start3A = arith.constant 0 : i32
      %dma_start3A_15 = arith.constant 0 : i32
      %dma_start3A_16 = tpu.memref_slice %arg4[%add3A, %dma_start3A, %dma_start3A_15] : memref<32x79x128xi32, #tpu.memory_space<hbm>> -> memref<1x79x128xi32, #tpu.memory_space<hbm>>
      %dma_start3A_17 = tpu.memref_squeeze %dma_start3A_16 : memref<1x79x128xi32, #tpu.memory_space<hbm>> -> memref<79x128xi32, #tpu.memory_space<hbm>>
      %dma_start3A_18 = arith.constant 0 : i32
      %dma_start3A_19 = arith.constant 0 : i32
      %dma_start3A_20 = tpu.memref_slice %arg4[%add3A, %dma_start3A_18, %dma_start3A_19] : memref<32x79x128xi32, #tpu.memory_space<hbm>> -> memref<1x79x128xi32, #tpu.memory_space<hbm>>
      %dma_start3A_21 = tpu.memref_squeeze %dma_start3A_20 : memref<1x79x128xi32, #tpu.memory_space<hbm>> -> memref<79x128xi32, #tpu.memory_space<hbm>>
      tpu.enqueue_dma source(%dma_start3A_21 : memref<79x128xi32, #tpu.memory_space<hbm>>) target(%arg7 : memref<79x128xi32, #tpu.memory_space<vmem>>) target_semaphore(%run_scoped3A : memref<!tpu.dma_semaphore, #tpu.memory_space<semaphore_mem>>)
      %dma_wait3A = arith.constant 0 : i32
      %dma_wait3A_22 = arith.constant 0 : i32
      %dma_wait3A_23 = tpu.memref_slice %arg4[%add3A, %dma_wait3A, %dma_wait3A_22] : memref<32x79x128xi32, #tpu.memory_space<hbm>> -> memref<1x79x128xi32, #tpu.memory_space<hbm>>
      %dma_wait3A_24 = tpu.memref_squeeze %dma_wait3A_23 : memref<1x79x128xi32, #tpu.memory_space<hbm>> -> memref<79x128xi32, #tpu.memory_space<hbm>>
      %dma_wait3A_25 = arith.constant 0 : i32
      %dma_wait3A_26 = arith.constant 0 : i32
      %dma_wait3A_27 = tpu.memref_slice %arg4[%add3A, %dma_wait3A_25, %dma_wait3A_26] : memref<32x79x128xi32, #tpu.memory_space<hbm>> -> memref<1x79x128xi32, #tpu.memory_space<hbm>>
      %dma_wait3A_28 = tpu.memref_squeeze %dma_wait3A_27 : memref<1x79x128xi32, #tpu.memory_space<hbm>> -> memref<79x128xi32, #tpu.memory_space<hbm>>
      tpu.wait_dma2 semaphore(%run_scoped3A : memref<!tpu.dma_semaphore, #tpu.memory_space<semaphore_mem>>) src(%dma_wait3A_28 : memref<79x128xi32, #tpu.memory_space<hbm>>) dst(%arg7 : memref<79x128xi32, #tpu.memory_space<vmem>>)
      tpu.yield
    }) : () -> ()
    "tpu.region"() ({
      %run_scoped3A = tpu.sem_alloc : memref<!tpu.dma_semaphore, #tpu.memory_space<semaphore_mem>>
      %dma_start3A = arith.constant 0 : i32
      %dma_start3A_15 = arith.constant 0 : i32
      %dma_start3A_16 = tpu.memref_slice %arg5[%add3A, %dma_start3A, %dma_start3A_15] : memref<32x79x128xi32, #tpu.memory_space<hbm>> -> memref<1x79x128xi32, #tpu.memory_space<hbm>>
      %dma_start3A_17 = tpu.memref_squeeze %dma_start3A_16 : memref<1x79x128xi32, #tpu.memory_space<hbm>> -> memref<79x128xi32, #tpu.memory_space<hbm>>
      %dma_start3A_18 = arith.constant 0 : i32
      %dma_start3A_19 = arith.constant 0 : i32
      %dma_start3A_20 = tpu.memref_slice %arg5[%add3A, %dma_start3A_18, %dma_start3A_19] : memref<32x79x128xi32, #tpu.memory_space<hbm>> -> memref<1x79x128xi32, #tpu.memory_space<hbm>>
      %dma_start3A_21 = tpu.memref_squeeze %dma_start3A_20 : memref<1x79x128xi32, #tpu.memory_space<hbm>> -> memref<79x128xi32, #tpu.memory_space<hbm>>
      tpu.enqueue_dma source(%dma_start3A_21 : memref<79x128xi32, #tpu.memory_space<hbm>>) target(%arg8 : memref<79x128xi32, #tpu.memory_space<vmem>>) target_semaphore(%run_scoped3A : memref<!tpu.dma_semaphore, #tpu.memory_space<semaphore_mem>>)
      %dma_wait3A = arith.constant 0 : i32
      %dma_wait3A_22 = arith.constant 0 : i32
      %dma_wait3A_23 = tpu.memref_slice %arg5[%add3A, %dma_wait3A, %dma_wait3A_22] : memref<32x79x128xi32, #tpu.memory_space<hbm>> -> memref<1x79x128xi32, #tpu.memory_space<hbm>>
      %dma_wait3A_24 = tpu.memref_squeeze %dma_wait3A_23 : memref<1x79x128xi32, #tpu.memory_space<hbm>> -> memref<79x128xi32, #tpu.memory_space<hbm>>
      %dma_wait3A_25 = arith.constant 0 : i32
      %dma_wait3A_26 = arith.constant 0 : i32
      %dma_wait3A_27 = tpu.memref_slice %arg5[%add3A, %dma_wait3A_25, %dma_wait3A_26] : memref<32x79x128xi32, #tpu.memory_space<hbm>> -> memref<1x79x128xi32, #tpu.memory_space<hbm>>
      %dma_wait3A_28 = tpu.memref_squeeze %dma_wait3A_27 : memref<1x79x128xi32, #tpu.memory_space<hbm>> -> memref<79x128xi32, #tpu.memory_space<hbm>>
      tpu.wait_dma2 semaphore(%run_scoped3A : memref<!tpu.dma_semaphore, #tpu.memory_space<semaphore_mem>>) src(%dma_wait3A_28 : memref<79x128xi32, #tpu.memory_space<hbm>>) dst(%arg8 : memref<79x128xi32, #tpu.memory_space<vmem>>)
      tpu.yield
    }) : () -> ()
    %barrier3A = arith.constant 0 : index
    tpu.barrier barrier_id(%barrier3A)
    %scan3A = arith.constant 0 : i32
    %scan3A_5 = arith.constant 0 : i32
    %scan3A_6 = arith.constant 79 : i32
    %scan3A_7 = arith.addi %scan3A_5, %scan3A_6 : i32
    %scan3A_8 = arith.constant 1 : i32
    scf.for %scan3A_15 = %scan3A_5 to %scan3A_7 step %scan3A_8  : i32 {
      %dma_start3A = arith.constant 0 : i32
      %dma_start3A_16 = tpu.memref_slice %arg7[%scan3A_15, %dma_start3A] : memref<79x128xi32, #tpu.memory_space<vmem>> -> memref<1x128xi32, #tpu.memory_space<vmem>>
      %dma_start3A_17 = tpu.memref_squeeze %dma_start3A_16 : memref<1x128xi32, #tpu.memory_space<vmem>> -> memref<128xi32, #tpu.memory_space<vmem>>
      %dma_start3A_18 = arith.constant 0 : i32
      %dma_start3A_19 = arith.constant 0 : i32
      %dma_start3A_20 = tpu.memref_slice %arg3[%dma_start3A_18, %dma_start3A_19] : memref<10240x128xf32, #tpu.memory_space<hbm>> -> memref<10240x128xf32, #tpu.memory_space<hbm>>
      tpu.enqueue_indirect_dma source(%dma_start3A_20 : memref<10240x128xf32, #tpu.memory_space<hbm>>) target(%arg9 : memref<128x128xf32, #tpu.memory_space<vmem>>) offsets(%dma_start3A_17 : memref<128xi32, #tpu.memory_space<vmem>>) semaphore(%arg10 : memref<!tpu.dma_semaphore, #tpu.memory_space<semaphore_mem>>)
      %dma_wait3A = arith.constant 0 : i32
      %dma_wait3A_21 = tpu.memref_slice %arg7[%scan3A_15, %dma_wait3A] : memref<79x128xi32, #tpu.memory_space<vmem>> -> memref<1x128xi32, #tpu.memory_space<vmem>>
      %dma_wait3A_22 = tpu.memref_squeeze %dma_wait3A_21 : memref<1x128xi32, #tpu.memory_space<vmem>> -> memref<128xi32, #tpu.memory_space<vmem>>
      %dma_wait3A_23 = arith.constant 0 : i32
      %dma_wait3A_24 = arith.constant 0 : i32
      %dma_wait3A_25 = tpu.memref_slice %arg3[%dma_wait3A_23, %dma_wait3A_24] : memref<10240x128xf32, #tpu.memory_space<hbm>> -> memref<10240x128xf32, #tpu.memory_space<hbm>>
      tpu.wait_indirect_dma semaphore(%arg10 : memref<!tpu.dma_semaphore, #tpu.memory_space<semaphore_mem>>) src(%dma_wait3A_25 : memref<10240x128xf32, #tpu.memory_space<hbm>>) dst(%arg9 : memref<128x128xf32, #tpu.memory_space<vmem>>)
      "tpu.region"() ({
        %run_scoped3A = tpu.sem_alloc : memref<!tpu.dma_semaphore, #tpu.memory_space<semaphore_mem>>
        %dma_start3A_26 = arith.constant 0 : i32
        %dma_start3A_27 = tpu.memref_slice %arg8[%scan3A_15, %dma_start3A_26] : memref<79x128xi32, #tpu.memory_space<vmem>> -> memref<1x128xi32, #tpu.memory_space<vmem>>
        %dma_start3A_28 = tpu.memref_squeeze %dma_start3A_27 : memref<1x128xi32, #tpu.memory_space<vmem>> -> memref<128xi32, #tpu.memory_space<vmem>>
        %dma_start3A_29 = arith.constant 0 : i32
        %dma_start3A_30 = arith.constant 0 : i32
        %dma_start3A_31 = tpu.memref_slice %arg11[%dma_start3A_29, %dma_start3A_30] : memref<10240x128xf32, #tpu.memory_space<vmem_shared>> -> memref<10240x128xf32, #tpu.memory_space<vmem_shared>>
        tpu.enqueue_indirect_dma source(%arg9 : memref<128x128xf32, #tpu.memory_space<vmem>>) target(%dma_start3A_31 : memref<10240x128xf32, #tpu.memory_space<vmem_shared>>) offsets(%dma_start3A_28 : memref<128xi32, #tpu.memory_space<vmem>>) semaphore(%run_scoped3A : memref<!tpu.dma_semaphore, #tpu.memory_space<semaphore_mem>>) {add = true}
        %dma_wait3A_32 = arith.constant 0 : i32
        %dma_wait3A_33 = tpu.memref_slice %arg8[%scan3A_15, %dma_wait3A_32] : memref<79x128xi32, #tpu.memory_space<vmem>> -> memref<1x128xi32, #tpu.memory_space<vmem>>
        %dma_wait3A_34 = tpu.memref_squeeze %dma_wait3A_33 : memref<1x128xi32, #tpu.memory_space<vmem>> -> memref<128xi32, #tpu.memory_space<vmem>>
        %dma_wait3A_35 = arith.constant 0 : i32
        %dma_wait3A_36 = arith.constant 0 : i32
        %dma_wait3A_37 = tpu.memref_slice %arg11[%dma_wait3A_35, %dma_wait3A_36] : memref<10240x128xf32, #tpu.memory_space<vmem_shared>> -> memref<10240x128xf32, #tpu.memory_space<vmem_shared>>
        tpu.wait_indirect_dma semaphore(%run_scoped3A : memref<!tpu.dma_semaphore, #tpu.memory_space<semaphore_mem>>) src(%arg9 : memref<128x128xf32, #tpu.memory_space<vmem>>) dst(%dma_wait3A_37 : memref<10240x128xf32, #tpu.memory_space<vmem_shared>>)
        tpu.yield
      }) : () -> ()
    }
    %scan3A_9 = arith.constant 79 : i32
    %barrier3A_10 = arith.constant 0 : index
    tpu.barrier barrier_id(%barrier3A_10)
    %mul3A_11 = arith.constant 640 : i32
    %mul3A_12 = arith.muli %arg1, %mul3A_11 : i32
    %mul3A_13 = arith.constant 640 : i32
    %mul3A_14 = arith.muli %arg1, %mul3A_13 : i32
    "tpu.region"() ({
      %run_scoped3A = tpu.sem_alloc : memref<!tpu.dma_semaphore, #tpu.memory_space<semaphore_mem>>
      %dma_start3A = arith.constant 0 : i32
      %dma_start3A_15 = tpu.memref_slice %arg6[%arg0, %mul3A_14, %dma_start3A] : memref<2x10240x128xf32, #tpu.memory_space<hbm>> -> memref<1x640x128xf32, #tpu.memory_space<hbm>>
      %dma_start3A_16 = tpu.memref_squeeze %dma_start3A_15 : memref<1x640x128xf32, #tpu.memory_space<hbm>> -> memref<640x128xf32, #tpu.memory_space<hbm>>
      %dma_start3A_17 = arith.constant 0 : i32
      %dma_start3A_18 = tpu.memref_slice %arg11[%mul3A_12, %dma_start3A_17] : memref<10240x128xf32, #tpu.memory_space<vmem_shared>> -> memref<640x128xf32, #tpu.memory_space<vmem_shared>>
      tpu.enqueue_dma source(%dma_start3A_18 : memref<640x128xf32, #tpu.memory_space<vmem_shared>>) target(%dma_start3A_16 : memref<640x128xf32, #tpu.memory_space<hbm>>) target_semaphore(%run_scoped3A : memref<!tpu.dma_semaphore, #tpu.memory_space<semaphore_mem>>)
      %dma_wait3A = arith.constant 0 : i32
      %dma_wait3A_19 = tpu.memref_slice %arg6[%arg0, %mul3A_14, %dma_wait3A] : memref<2x10240x128xf32, #tpu.memory_space<hbm>> -> memref<1x640x128xf32, #tpu.memory_space<hbm>>
      %dma_wait3A_20 = tpu.memref_squeeze %dma_wait3A_19 : memref<1x640x128xf32, #tpu.memory_space<hbm>> -> memref<640x128xf32, #tpu.memory_space<hbm>>
      %dma_wait3A_21 = arith.constant 0 : i32
      %dma_wait3A_22 = tpu.memref_slice %arg11[%mul3A_12, %dma_wait3A_21] : memref<10240x128xf32, #tpu.memory_space<vmem_shared>> -> memref<640x128xf32, #tpu.memory_space<vmem_shared>>
      tpu.wait_dma2 semaphore(%run_scoped3A : memref<!tpu.dma_semaphore, #tpu.memory_space<semaphore_mem>>) src(%dma_wait3A_22 : memref<640x128xf32, #tpu.memory_space<vmem_shared>>) dst(%dma_wait3A_20 : memref<640x128xf32, #tpu.memory_space<hbm>>)
      tpu.yield
    }) : () -> ()
    return
  }
}

#map = affine_map<(d0, d1) -> (0, 0)>
#map1 = affine_map<(d0, d1) -> (0, 0, 0)>
module attributes {stable_mosaic.version = 14 : i64} {
  func.func @prop_kernel(%arg0: i32, %arg1: i32, %arg2: memref<10240x128xf32, #tpu.memory_space<hbm>>, %arg3: memref<10240x128xf32, #tpu.memory_space<hbm>>, %arg4: memref<32x79x128xi32, #tpu.memory_space<hbm>>, %arg5: memref<32x79x128xi32, #tpu.memory_space<hbm>>, %arg6: memref<2x10240x128xf32, #tpu.memory_space<hbm>>, %arg7: memref<79x128xi32, #tpu.memory_space<vmem>>, %arg8: memref<79x128xi32, #tpu.memory_space<vmem>>, %arg9: memref<128x128xf32, #tpu.memory_space<vmem>>, %arg10: memref<!tpu.dma_semaphore, #tpu.memory_space<semaphore_mem>>, %arg11: memref<10240x128xf32, #tpu.memory_space<vmem_shared>>) attributes {dimension_semantics = [#tpu.dimension_semantics<core_parallel>, #tpu.dimension_semantics<subcore_parallel>], iteration_bounds = array<i64: 2, 16>, scalar_prefetch = 0 : i64, scratch_operands = 5 : i64, tpu.core_type = #tpu.core_type<sc_vector_subcore>, window_params = [{transform_indices = #map}, {transform_indices = #map}, {transform_indices = #map1}, {transform_indices = #map1}, {transform_indices = #map1}]} {
    %mul3A = arith.constant 2 : i32
    %mul3A_0 = arith.muli %arg1, %mul3A : i32
    %add3A = arith.addi %mul3A_0, %arg0 : i32
    %mul3A_1 = arith.constant 640 : i32
    %mul3A_2 = arith.muli %arg1, %mul3A_1 : i32
    %mul3A_3 = arith.constant 640 : i32
    %mul3A_4 = arith.muli %arg1, %mul3A_3 : i32
    "tpu.region"() ({
      %run_scoped3A = tpu.sem_alloc : memref<!tpu.dma_semaphore, #tpu.memory_space<semaphore_mem>>
      %dma_start3A = arith.constant 0 : i32
      %dma_start3A_15 = tpu.memref_slice %arg11[%mul3A_4, %dma_start3A] : memref<10240x128xf32, #tpu.memory_space<vmem_shared>> -> memref<640x128xf32, #tpu.memory_space<vmem_shared>>
      %dma_start3A_16 = arith.constant 0 : i32
      %dma_start3A_17 = tpu.memref_slice %arg2[%mul3A_2, %dma_start3A_16] : memref<10240x128xf32, #tpu.memory_space<hbm>> -> memref<640x128xf32, #tpu.memory_space<hbm>>
      tpu.enqueue_dma source(%dma_start3A_17 : memref<640x128xf32, #tpu.memory_space<hbm>>) target(%dma_start3A_15 : memref<640x128xf32, #tpu.memory_space<vmem_shared>>) target_semaphore(%run_scoped3A : memref<!tpu.dma_semaphore, #tpu.memory_space<semaphore_mem>>)
      %dma_wait3A = arith.constant 0 : i32
      %dma_wait3A_18 = tpu.memref_slice %arg11[%mul3A_4, %dma_wait3A] : memref<10240x128xf32, #tpu.memory_space<vmem_shared>> -> memref<640x128xf32, #tpu.memory_space<vmem_shared>>
      %dma_wait3A_19 = arith.constant 0 : i32
      %dma_wait3A_20 = tpu.memref_slice %arg2[%mul3A_2, %dma_wait3A_19] : memref<10240x128xf32, #tpu.memory_space<hbm>> -> memref<640x128xf32, #tpu.memory_space<hbm>>
      tpu.wait_dma2 semaphore(%run_scoped3A : memref<!tpu.dma_semaphore, #tpu.memory_space<semaphore_mem>>) src(%dma_wait3A_20 : memref<640x128xf32, #tpu.memory_space<hbm>>) dst(%dma_wait3A_18 : memref<640x128xf32, #tpu.memory_space<vmem_shared>>)
      tpu.yield
    }) : () -> ()
    "tpu.region"() ({
      %run_scoped3A = tpu.sem_alloc : memref<!tpu.dma_semaphore, #tpu.memory_space<semaphore_mem>>
      %dma_start3A = arith.constant 0 : i32
      %dma_start3A_15 = arith.constant 0 : i32
      %dma_start3A_16 = tpu.memref_slice %arg4[%add3A, %dma_start3A, %dma_start3A_15] : memref<32x79x128xi32, #tpu.memory_space<hbm>> -> memref<1x79x128xi32, #tpu.memory_space<hbm>>
      %dma_start3A_17 = tpu.memref_squeeze %dma_start3A_16 : memref<1x79x128xi32, #tpu.memory_space<hbm>> -> memref<79x128xi32, #tpu.memory_space<hbm>>
      %dma_start3A_18 = arith.constant 0 : i32
      %dma_start3A_19 = arith.constant 0 : i32
      %dma_start3A_20 = tpu.memref_slice %arg4[%add3A, %dma_start3A_18, %dma_start3A_19] : memref<32x79x128xi32, #tpu.memory_space<hbm>> -> memref<1x79x128xi32, #tpu.memory_space<hbm>>
      %dma_start3A_21 = tpu.memref_squeeze %dma_start3A_20 : memref<1x79x128xi32, #tpu.memory_space<hbm>> -> memref<79x128xi32, #tpu.memory_space<hbm>>
      tpu.enqueue_dma source(%dma_start3A_21 : memref<79x128xi32, #tpu.memory_space<hbm>>) target(%arg7 : memref<79x128xi32, #tpu.memory_space<vmem>>) target_semaphore(%run_scoped3A : memref<!tpu.dma_semaphore, #tpu.memory_space<semaphore_mem>>)
      %dma_wait3A = arith.constant 0 : i32
      %dma_wait3A_22 = arith.constant 0 : i32
      %dma_wait3A_23 = tpu.memref_slice %arg4[%add3A, %dma_wait3A, %dma_wait3A_22] : memref<32x79x128xi32, #tpu.memory_space<hbm>> -> memref<1x79x128xi32, #tpu.memory_space<hbm>>
      %dma_wait3A_24 = tpu.memref_squeeze %dma_wait3A_23 : memref<1x79x128xi32, #tpu.memory_space<hbm>> -> memref<79x128xi32, #tpu.memory_space<hbm>>
      %dma_wait3A_25 = arith.constant 0 : i32
      %dma_wait3A_26 = arith.constant 0 : i32
      %dma_wait3A_27 = tpu.memref_slice %arg4[%add3A, %dma_wait3A_25, %dma_wait3A_26] : memref<32x79x128xi32, #tpu.memory_space<hbm>> -> memref<1x79x128xi32, #tpu.memory_space<hbm>>
      %dma_wait3A_28 = tpu.memref_squeeze %dma_wait3A_27 : memref<1x79x128xi32, #tpu.memory_space<hbm>> -> memref<79x128xi32, #tpu.memory_space<hbm>>
      tpu.wait_dma2 semaphore(%run_scoped3A : memref<!tpu.dma_semaphore, #tpu.memory_space<semaphore_mem>>) src(%dma_wait3A_28 : memref<79x128xi32, #tpu.memory_space<hbm>>) dst(%arg7 : memref<79x128xi32, #tpu.memory_space<vmem>>)
      tpu.yield
    }) : () -> ()
    "tpu.region"() ({
      %run_scoped3A = tpu.sem_alloc : memref<!tpu.dma_semaphore, #tpu.memory_space<semaphore_mem>>
      %dma_start3A = arith.constant 0 : i32
      %dma_start3A_15 = arith.constant 0 : i32
      %dma_start3A_16 = tpu.memref_slice %arg5[%add3A, %dma_start3A, %dma_start3A_15] : memref<32x79x128xi32, #tpu.memory_space<hbm>> -> memref<1x79x128xi32, #tpu.memory_space<hbm>>
      %dma_start3A_17 = tpu.memref_squeeze %dma_start3A_16 : memref<1x79x128xi32, #tpu.memory_space<hbm>> -> memref<79x128xi32, #tpu.memory_space<hbm>>
      %dma_start3A_18 = arith.constant 0 : i32
      %dma_start3A_19 = arith.constant 0 : i32
      %dma_start3A_20 = tpu.memref_slice %arg5[%add3A, %dma_start3A_18, %dma_start3A_19] : memref<32x79x128xi32, #tpu.memory_space<hbm>> -> memref<1x79x128xi32, #tpu.memory_space<hbm>>
      %dma_start3A_21 = tpu.memref_squeeze %dma_start3A_20 : memref<1x79x128xi32, #tpu.memory_space<hbm>> -> memref<79x128xi32, #tpu.memory_space<hbm>>
      tpu.enqueue_dma source(%dma_start3A_21 : memref<79x128xi32, #tpu.memory_space<hbm>>) target(%arg8 : memref<79x128xi32, #tpu.memory_space<vmem>>) target_semaphore(%run_scoped3A : memref<!tpu.dma_semaphore, #tpu.memory_space<semaphore_mem>>)
      %dma_wait3A = arith.constant 0 : i32
      %dma_wait3A_22 = arith.constant 0 : i32
      %dma_wait3A_23 = tpu.memref_slice %arg5[%add3A, %dma_wait3A, %dma_wait3A_22] : memref<32x79x128xi32, #tpu.memory_space<hbm>> -> memref<1x79x128xi32, #tpu.memory_space<hbm>>
      %dma_wait3A_24 = tpu.memref_squeeze %dma_wait3A_23 : memref<1x79x128xi32, #tpu.memory_space<hbm>> -> memref<79x128xi32, #tpu.memory_space<hbm>>
      %dma_wait3A_25 = arith.constant 0 : i32
      %dma_wait3A_26 = arith.constant 0 : i32
      %dma_wait3A_27 = tpu.memref_slice %arg5[%add3A, %dma_wait3A_25, %dma_wait3A_26] : memref<32x79x128xi32, #tpu.memory_space<hbm>> -> memref<1x79x128xi32, #tpu.memory_space<hbm>>
      %dma_wait3A_28 = tpu.memref_squeeze %dma_wait3A_27 : memref<1x79x128xi32, #tpu.memory_space<hbm>> -> memref<79x128xi32, #tpu.memory_space<hbm>>
      tpu.wait_dma2 semaphore(%run_scoped3A : memref<!tpu.dma_semaphore, #tpu.memory_space<semaphore_mem>>) src(%dma_wait3A_28 : memref<79x128xi32, #tpu.memory_space<hbm>>) dst(%arg8 : memref<79x128xi32, #tpu.memory_space<vmem>>)
      tpu.yield
    }) : () -> ()
    %barrier3A = arith.constant 0 : index
    tpu.barrier barrier_id(%barrier3A)
    %scan3A = arith.constant 0 : i32
    %scan3A_5 = arith.constant 0 : i32
    %scan3A_6 = arith.constant 79 : i32
    %scan3A_7 = arith.addi %scan3A_5, %scan3A_6 : i32
    %scan3A_8 = arith.constant 1 : i32
    scf.for %scan3A_15 = %scan3A_5 to %scan3A_7 step %scan3A_8  : i32 {
      %dma_start3A = arith.constant 0 : i32
      %dma_start3A_16 = tpu.memref_slice %arg7[%scan3A_15, %dma_start3A] : memref<79x128xi32, #tpu.memory_space<vmem>> -> memref<1x128xi32, #tpu.memory_space<vmem>>
      %dma_start3A_17 = tpu.memref_squeeze %dma_start3A_16 : memref<1x128xi32, #tpu.memory_space<vmem>> -> memref<128xi32, #tpu.memory_space<vmem>>
      %dma_start3A_18 = arith.constant 0 : i32
      %dma_start3A_19 = arith.constant 0 : i32
      %dma_start3A_20 = tpu.memref_slice %arg3[%dma_start3A_18, %dma_start3A_19] : memref<10240x128xf32, #tpu.memory_space<hbm>> -> memref<10240x128xf32, #tpu.memory_space<hbm>>
      tpu.enqueue_indirect_dma source(%dma_start3A_20 : memref<10240x128xf32, #tpu.memory_space<hbm>>) target(%arg9 : memref<128x128xf32, #tpu.memory_space<vmem>>) offsets(%dma_start3A_17 : memref<128xi32, #tpu.memory_space<vmem>>) semaphore(%arg10 : memref<!tpu.dma_semaphore, #tpu.memory_space<semaphore_mem>>)
      %dma_wait3A = arith.constant 0 : i32
      %dma_wait3A_21 = tpu.memref_slice %arg7[%scan3A_15, %dma_wait3A] : memref<79x128xi32, #tpu.memory_space<vmem>> -> memref<1x128xi32, #tpu.memory_space<vmem>>
      %dma_wait3A_22 = tpu.memref_squeeze %dma_wait3A_21 : memref<1x128xi32, #tpu.memory_space<vmem>> -> memref<128xi32, #tpu.memory_space<vmem>>
      %dma_wait3A_23 = arith.constant 0 : i32
      %dma_wait3A_24 = arith.constant 0 : i32
      %dma_wait3A_25 = tpu.memref_slice %arg3[%dma_wait3A_23, %dma_wait3A_24] : memref<10240x128xf32, #tpu.memory_space<hbm>> -> memref<10240x128xf32, #tpu.memory_space<hbm>>
      tpu.wait_indirect_dma semaphore(%arg10 : memref<!tpu.dma_semaphore, #tpu.memory_space<semaphore_mem>>) src(%dma_wait3A_25 : memref<10240x128xf32, #tpu.memory_space<hbm>>) dst(%arg9 : memref<128x128xf32, #tpu.memory_space<vmem>>)
      "tpu.region"() ({
        %run_scoped3A = tpu.sem_alloc : memref<!tpu.dma_semaphore, #tpu.memory_space<semaphore_mem>>
        %dma_start3A_26 = arith.constant 0 : i32
        %dma_start3A_27 = tpu.memref_slice %arg8[%scan3A_15, %dma_start3A_26] : memref<79x128xi32, #tpu.memory_space<vmem>> -> memref<1x128xi32, #tpu.memory_space<vmem>>
        %dma_start3A_28 = tpu.memref_squeeze %dma_start3A_27 : memref<1x128xi32, #tpu.memory_space<vmem>> -> memref<128xi32, #tpu.memory_space<vmem>>
        %dma_start3A_29 = arith.constant 0 : i32
        %dma_start3A_30 = arith.constant 0 : i32
        %dma_start3A_31 = tpu.memref_slice %arg11[%dma_start3A_29, %dma_start3A_30] : memref<10240x128xf32, #tpu.memory_space<vmem_shared>> -> memref<10240x128xf32, #tpu.memory_space<vmem_shared>>
        tpu.enqueue_indirect_dma source(%arg9 : memref<128x128xf32, #tpu.memory_space<vmem>>) target(%dma_start3A_31 : memref<10240x128xf32, #tpu.memory_space<vmem_shared>>) offsets(%dma_start3A_28 : memref<128xi32, #tpu.memory_space<vmem>>) semaphore(%run_scoped3A : memref<!tpu.dma_semaphore, #tpu.memory_space<semaphore_mem>>) {add = true}
        %dma_wait3A_32 = arith.constant 0 : i32
        %dma_wait3A_33 = tpu.memref_slice %arg8[%scan3A_15, %dma_wait3A_32] : memref<79x128xi32, #tpu.memory_space<vmem>> -> memref<1x128xi32, #tpu.memory_space<vmem>>
        %dma_wait3A_34 = tpu.memref_squeeze %dma_wait3A_33 : memref<1x128xi32, #tpu.memory_space<vmem>> -> memref<128xi32, #tpu.memory_space<vmem>>
        %dma_wait3A_35 = arith.constant 0 : i32
        %dma_wait3A_36 = arith.constant 0 : i32
        %dma_wait3A_37 = tpu.memref_slice %arg11[%dma_wait3A_35, %dma_wait3A_36] : memref<10240x128xf32, #tpu.memory_space<vmem_shared>> -> memref<10240x128xf32, #tpu.memory_space<vmem_shared>>
        tpu.wait_indirect_dma semaphore(%run_scoped3A : memref<!tpu.dma_semaphore, #tpu.memory_space<semaphore_mem>>) src(%arg9 : memref<128x128xf32, #tpu.memory_space<vmem>>) dst(%dma_wait3A_37 : memref<10240x128xf32, #tpu.memory_space<vmem_shared>>)
        tpu.yield
      }) : () -> ()
    }
    %scan3A_9 = arith.constant 79 : i32
    %barrier3A_10 = arith.constant 0 : index
    tpu.barrier barrier_id(%barrier3A_10)
    %mul3A_11 = arith.constant 640 : i32
    %mul3A_12 = arith.muli %arg1, %mul3A_11 : i32
    %mul3A_13 = arith.constant 640 : i32
    %mul3A_14 = arith.muli %arg1, %mul3A_13 : i32
    "tpu.region"() ({
      %run_scoped3A = tpu.sem_alloc : memref<!tpu.dma_semaphore, #tpu.memory_space<semaphore_mem>>
      %dma_start3A = arith.constant 0 : i32
      %dma_start3A_15 = tpu.memref_slice %arg6[%arg0, %mul3A_14, %dma_start3A] : memref<2x10240x128xf32, #tpu.memory_space<hbm>> -> memref<1x640x128xf32, #tpu.memory_space<hbm>>
      %dma_start3A_16 = tpu.memref_squeeze %dma_start3A_15 : memref<1x640x128xf32, #tpu.memory_space<hbm>> -> memref<640x128xf32, #tpu.memory_space<hbm>>
      %dma_start3A_17 = arith.constant 0 : i32
      %dma_start3A_18 = tpu.memref_slice %arg11[%mul3A_12, %dma_start3A_17] : memref<10240x128xf32, #tpu.memory_space<vmem_shared>> -> memref<640x128xf32, #tpu.memory_space<vmem_shared>>
      tpu.enqueue_dma source(%dma_start3A_18 : memref<640x128xf32, #tpu.memory_space<vmem_shared>>) target(%dma_start3A_16 : memref<640x128xf32, #tpu.memory_space<hbm>>) target_semaphore(%run_scoped3A : memref<!tpu.dma_semaphore, #tpu.memory_space<semaphore_mem>>)
      %dma_wait3A = arith.constant 0 : i32
      %dma_wait3A_19 = tpu.memref_slice %arg6[%arg0, %mul3A_14, %dma_wait3A] : memref<2x10240x128xf32, #tpu.memory_space<hbm>> -> memref<1x640x128xf32, #tpu.memory_space<hbm>>
      %dma_wait3A_20 = tpu.memref_squeeze %dma_wait3A_19 : memref<1x640x128xf32, #tpu.memory_space<hbm>> -> memref<640x128xf32, #tpu.memory_space<hbm>>
      %dma_wait3A_21 = arith.constant 0 : i32
      %dma_wait3A_22 = tpu.memref_slice %arg11[%mul3A_12, %dma_wait3A_21] : memref<10240x128xf32, #tpu.memory_space<vmem_shared>> -> memref<640x128xf32, #tpu.memory_space<vmem_shared>>
      tpu.wait_dma2 semaphore(%run_scoped3A : memref<!tpu.dma_semaphore, #tpu.memory_space<semaphore_mem>>) src(%dma_wait3A_22 : memref<640x128xf32, #tpu.memory_space<vmem_shared>>) dst(%dma_wait3A_20 : memref<640x128xf32, #tpu.memory_space<hbm>>)
      tpu.yield
    }) : () -> ()
    return
  }
}

module attributes {stable_mosaic.version = 14 : i64} {
  func.func @_tc_pre_body(%arg0: i32, %arg1: memref<2x1024x1xf32, #tpu.memory_space<vmem>>, %arg2: memref<1024x128xf32, #tpu.memory_space<vmem>>, %arg3: memref<1024x1xf32, #tpu.memory_space<vmem>>, %arg4: memref<1024x128xf32, #tpu.memory_space<vmem>>) attributes {dimension_semantics = [#tpu.dimension_semantics<arbitrary>], iteration_bounds = array<i64: 10>, scalar_prefetch = 0 : i64, scratch_operands = 0 : i64, tpu.core_type = #tpu.core_type<tc>, window_params = [{transform_indices = @transform_0, window_bounds = array<i64: 2, 1024, 1>}, {transform_indices = @transform_1, window_bounds = array<i64: 1024, 128>}, {transform_indices = @transform_2, window_bounds = array<i64: 1024, 1>}, {transform_indices = @transform_3, window_bounds = array<i64: 1024, 128>}]} {
    %get3A = arith.constant 0 : index
    %get3A_0 = arith.constant 0 : index
    %get3A_1 = arith.constant 0 : index
    %get3A_2 = vector.load %arg1[%get3A, %get3A_0, %get3A_1] : memref<2x1024x1xf32, #tpu.memory_space<vmem>>, vector<1x1024x1xf32>
    %get3A_3 = vector.shape_cast %get3A_2 : vector<1x1024x1xf32> to vector<1024x1xf32>
    %get3A_4 = arith.constant 1 : index
    %get3A_5 = arith.constant 0 : index
    %get3A_6 = arith.constant 0 : index
    %get3A_7 = vector.load %arg1[%get3A_4, %get3A_5, %get3A_6] : memref<2x1024x1xf32, #tpu.memory_space<vmem>>, vector<1x1024x1xf32>
    %get3A_8 = vector.shape_cast %get3A_7 : vector<1x1024x1xf32> to vector<1024x1xf32>
    %add3A = arith.addf %get3A_3, %get3A_8 : vector<1024x1xf32>
    %iota3A = tpu.iota {dimensions = array<i32: 0>} : vector<1024x1xi32>
    %mul3A = arith.constant 1024 : i32
    %mul3A_9 = arith.muli %arg0, %mul3A : i32
    %add3A_10 = vector.broadcast %mul3A_9 : i32 to vector<1024x1xi32>
    %add3A_11 = arith.addi %iota3A, %add3A_10 : vector<1024x1xi32>
    %lt3A = arith.constant 10000 : i32
    %lt3A_12 = vector.broadcast %lt3A : i32 to vector<1024x1xi32>
    %lt3A_13 = arith.cmpi slt, %add3A_11, %lt3A_12 : vector<1024x1xi32>
    %jit3A = arith.constant 0.000000e+00 : f32
    %broadcast_in_dim3A = vector.broadcast %jit3A : f32 to vector<1024x1xf32>
    %select_n3A = arith.select %lt3A_13, %add3A, %broadcast_in_dim3A : vector<1024x1xi1>, vector<1024x1xf32>
    %gt3A = arith.constant 0.000000e+00 : f32
    %gt3A_14 = vector.broadcast %gt3A : f32 to vector<1024x1xf32>
    %gt3A_15 = arith.cmpf ogt, %select_n3A, %gt3A_14 : vector<1024x1xf32>
    %max3A = arith.constant 9.99999996E-13 : f32
    %max3A_16 = vector.broadcast %max3A : f32 to vector<1024x1xf32>
    %max3A_17 = arith.maximumf %select_n3A, %max3A_16 : vector<1024x1xf32>
    %rsqrt3A = math.rsqrt %max3A_17 : vector<1024x1xf32>
    %jit3A_18 = arith.constant 0.000000e+00 : f32
    %broadcast_in_dim3A_19 = vector.broadcast %jit3A_18 : f32 to vector<1024x1xf32>
    %select_n3A_20 = arith.select %gt3A_15, %rsqrt3A, %broadcast_in_dim3A_19 : vector<1024x1xi1>, vector<1024x1xf32>
    %swap3A = arith.constant 0 : index
    %swap3A_21 = arith.constant 0 : index
    %swap3A_22 = vector.load %arg3[%swap3A, %swap3A_21] : memref<1024x1xf32, #tpu.memory_space<vmem>>, vector<1024x1xf32>
    tpu.vector_store %arg3[%swap3A, %swap3A_21], %select_n3A_20 {strides = array<i32>} : memref<1024x1xf32, #tpu.memory_space<vmem>>, vector<1024x1xf32>,
    %get3A_23 = arith.constant 0 : index
    %get3A_24 = arith.constant 0 : index
    %get3A_25 = vector.load %arg2[%get3A_23, %get3A_24] : memref<1024x128xf32, #tpu.memory_space<vmem>>, vector<1024x128xf32>
    %mul3A_26 = vector.broadcast %select_n3A_20 : vector<1024x1xf32> to vector<1024x128xf32>
    %mul3A_27 = arith.mulf %mul3A_26, %get3A_25 : vector<1024x128xf32>
    %swap3A_28 = arith.constant 0 : index
    %swap3A_29 = arith.constant 0 : index
    %swap3A_30 = vector.load %arg4[%swap3A_28, %swap3A_29] : memref<1024x128xf32, #tpu.memory_space<vmem>>, vector<1024x128xf32>
    tpu.vector_store %arg4[%swap3A_28, %swap3A_29], %mul3A_27 {strides = array<i32>} : memref<1024x128xf32, #tpu.memory_space<vmem>>, vector<1024x128xf32>,
    return
  }
  func.func @transform_0(%arg0: i32) -> (i32, i32, i32) {
    %c0_i32 = arith.constant 0 : i32
    %c0_i32_0 = arith.constant 0 : i32
    %c0_i32_1 = arith.constant 0 : i32
    return %c0_i32, %arg0, %c0_i32_0 : i32, i32, i32
  }
  func.func @transform_1(%arg0: i32) -> (i32, i32) {
    %c0_i32 = arith.constant 0 : i32
    %c0_i32_0 = arith.constant 0 : i32
    return %arg0, %c0_i32 : i32, i32
  }
  func.func @transform_2(%arg0: i32) -> (i32, i32) {
    %c0_i32 = arith.constant 0 : i32
    %c0_i32_0 = arith.constant 0 : i32
    return %arg0, %c0_i32 : i32, i32
  }
  func.func @transform_3(%arg0: i32) -> (i32, i32) {
    %c0_i32 = arith.constant 0 : i32
    %c0_i32_0 = arith.constant 0 : i32
    return %arg0, %c0_i32 : i32, i32
  }
}

module attributes {stable_mosaic.version = 14 : i64} {
  func.func @_tc_mid_body(%arg0: i32, %arg1: memref<2x1024x128xf32, #tpu.memory_space<vmem>>, %arg2: memref<1024x1xf32, #tpu.memory_space<vmem>>, %arg3: memref<1024x128xf32, #tpu.memory_space<vmem>>, %arg4: memref<1024x128xf32, #tpu.memory_space<vmem>>) attributes {dimension_semantics = [#tpu.dimension_semantics<arbitrary>], iteration_bounds = array<i64: 10>, scalar_prefetch = 0 : i64, scratch_operands = 0 : i64, tpu.core_type = #tpu.core_type<tc>, window_params = [{transform_indices = @transform_0, window_bounds = array<i64: 2, 1024, 128>}, {transform_indices = @transform_1, window_bounds = array<i64: 1024, 1>}, {transform_indices = @transform_2, window_bounds = array<i64: 1024, 128>}, {transform_indices = @transform_3, window_bounds = array<i64: 1024, 128>}]} {
    %get3A = arith.constant 0 : index
    %get3A_0 = arith.constant 0 : index
    %get3A_1 = vector.load %arg2[%get3A, %get3A_0] : memref<1024x1xf32, #tpu.memory_space<vmem>>, vector<1024x1xf32>
    %get3A_2 = arith.constant 0 : index
    %get3A_3 = arith.constant 0 : index
    %get3A_4 = arith.constant 0 : index
    %get3A_5 = vector.load %arg1[%get3A_2, %get3A_3, %get3A_4] : memref<2x1024x128xf32, #tpu.memory_space<vmem>>, vector<1x1024x128xf32>
    %get3A_6 = vector.shape_cast %get3A_5 : vector<1x1024x128xf32> to vector<1024x128xf32>
    %get3A_7 = arith.constant 1 : index
    %get3A_8 = arith.constant 0 : index
    %get3A_9 = arith.constant 0 : index
    %get3A_10 = vector.load %arg1[%get3A_7, %get3A_8, %get3A_9] : memref<2x1024x128xf32, #tpu.memory_space<vmem>>, vector<1x1024x128xf32>
    %get3A_11 = vector.shape_cast %get3A_10 : vector<1x1024x128xf32> to vector<1024x128xf32>
    %add3A = arith.addf %get3A_6, %get3A_11 : vector<1024x128xf32>
    %mul3A = vector.broadcast %get3A_1 : vector<1024x1xf32> to vector<1024x128xf32>
    %mul3A_12 = arith.mulf %mul3A, %add3A : vector<1024x128xf32>
    %neg3A = arith.constant 0.000000e+00 : f32
    %neg3A_13 = vector.broadcast %neg3A : f32 to vector<1024x128xf32>
    %neg3A_14 = arith.subf %neg3A_13, %mul3A_12 : vector<1024x128xf32>
    %swap3A = arith.constant 0 : index
    %swap3A_15 = arith.constant 0 : index
    %swap3A_16 = vector.load %arg3[%swap3A, %swap3A_15] : memref<1024x128xf32, #tpu.memory_space<vmem>>, vector<1024x128xf32>
    tpu.vector_store %arg3[%swap3A, %swap3A_15], %neg3A_14 {strides = array<i32>} : memref<1024x128xf32, #tpu.memory_space<vmem>>, vector<1024x128xf32>,
    %mul3A_17 = vector.broadcast %get3A_1 : vector<1024x1xf32> to vector<1024x128xf32>
    %mul3A_18 = arith.mulf %mul3A_17, %neg3A_14 : vector<1024x128xf32>
    %swap3A_19 = arith.constant 0 : index
    %swap3A_20 = arith.constant 0 : index
    %swap3A_21 = vector.load %arg4[%swap3A_19, %swap3A_20] : memref<1024x128xf32, #tpu.memory_space<vmem>>, vector<1024x128xf32>
    tpu.vector_store %arg4[%swap3A_19, %swap3A_20], %mul3A_18 {strides = array<i32>} : memref<1024x128xf32, #tpu.memory_space<vmem>>, vector<1024x128xf32>,
    return
  }
  func.func @transform_0(%arg0: i32) -> (i32, i32, i32) {
    %c0_i32 = arith.constant 0 : i32
    %c0_i32_0 = arith.constant 0 : i32
    %c0_i32_1 = arith.constant 0 : i32
    return %c0_i32, %arg0, %c0_i32_0 : i32, i32, i32
  }
  func.func @transform_1(%arg0: i32) -> (i32, i32) {
    %c0_i32 = arith.constant 0 : i32
    %c0_i32_0 = arith.constant 0 : i32
    return %arg0, %c0_i32 : i32, i32
  }
  func.func @transform_2(%arg0: i32) -> (i32, i32) {
    %c0_i32 = arith.constant 0 : i32
    %c0_i32_0 = arith.constant 0 : i32
    return %arg0, %c0_i32 : i32, i32
  }
  func.func @transform_3(%arg0: i32) -> (i32, i32) {
    %c0_i32 = arith.constant 0 : i32
    %c0_i32_0 = arith.constant 0 : i32
    return %arg0, %c0_i32 : i32, i32
  }
}

module attributes {stable_mosaic.version = 14 : i64} {
  func.func @_tc_layer_body(%arg0: i32, %arg1: memref<2x1024x128xf32, #tpu.memory_space<vmem>>, %arg2: memref<1024x1xf32, #tpu.memory_space<vmem>>, %arg3: memref<1024x128xf32, #tpu.memory_space<vmem>>, %arg4: memref<1024x128xf32, #tpu.memory_space<vmem>>, %arg5: memref<3x128x128xf32, #tpu.memory_space<vmem>>, %arg6: memref<128xf32, #tpu.memory_space<vmem>>, %arg7: memref<1024x128xf32, #tpu.memory_space<vmem>>, %arg8: memref<1024x128xf32, #tpu.memory_space<vmem>>) attributes {dimension_semantics = [#tpu.dimension_semantics<arbitrary>], iteration_bounds = array<i64: 10>, scalar_prefetch = 0 : i64, scratch_operands = 0 : i64, tpu.core_type = #tpu.core_type<tc>, window_params = [{transform_indices = @transform_0, window_bounds = array<i64: 2, 1024, 128>}, {transform_indices = @transform_1, window_bounds = array<i64: 1024, 1>}, {transform_indices = @transform_2, window_bounds = array<i64: 1024, 128>}, {transform_indices = @transform_3, window_bounds = array<i64: 1024, 128>}, {pipeline_mode = #tpu.pipeline_mode<synchronous>, transform_indices = @transform_4, window_bounds = array<i64: 3, 128, 128>}, {pipeline_mode = #tpu.pipeline_mode<synchronous>, transform_indices = @transform_5, window_bounds = array<i64: 128>}, {transform_indices = @transform_6, window_bounds = array<i64: 1024, 128>}, {transform_indices = @transform_7, window_bounds = array<i64: 1024, 128>}]} {
    %get3A = arith.constant 0 : index
    %get3A_0 = arith.constant 0 : index
    %get3A_1 = vector.load %arg2[%get3A, %get3A_0] : memref<1024x1xf32, #tpu.memory_space<vmem>>, vector<1024x1xf32>
    %get3A_2 = arith.constant 0 : index
    %get3A_3 = arith.constant 0 : index
    %get3A_4 = vector.load %arg3[%get3A_2, %get3A_3] : memref<1024x128xf32, #tpu.memory_space<vmem>>, vector<1024x128xf32>
    %get3A_5 = arith.constant 0 : index
    %get3A_6 = arith.constant 0 : index
    %get3A_7 = arith.constant 0 : index
    %get3A_8 = vector.load %arg1[%get3A_5, %get3A_6, %get3A_7] : memref<2x1024x128xf32, #tpu.memory_space<vmem>>, vector<1x1024x128xf32>
    %get3A_9 = vector.shape_cast %get3A_8 : vector<1x1024x128xf32> to vector<1024x128xf32>
    %get3A_10 = arith.constant 1 : index
    %get3A_11 = arith.constant 0 : index
    %get3A_12 = arith.constant 0 : index
    %get3A_13 = vector.load %arg1[%get3A_10, %get3A_11, %get3A_12] : memref<2x1024x128xf32, #tpu.memory_space<vmem>>, vector<1x1024x128xf32>
    %get3A_14 = vector.shape_cast %get3A_13 : vector<1x1024x128xf32> to vector<1024x128xf32>
    %add3A = arith.addf %get3A_9, %get3A_14 : vector<1024x128xf32>
    %mul3A = vector.broadcast %get3A_1 : vector<1024x1xf32> to vector<1024x128xf32>
    %mul3A_15 = arith.mulf %mul3A, %add3A : vector<1024x128xf32>
    %mul3A_16 = arith.constant -2.000000e+00 : f32
    %mul3A_17 = vector.broadcast %mul3A_16 : f32 to vector<1024x128xf32>
    %mul3A_18 = arith.mulf %mul3A_17, %mul3A_15 : vector<1024x128xf32>
    %sub3A = arith.subf %mul3A_18, %get3A_4 : vector<1024x128xf32>
    %get3A_19 = arith.constant 0 : index
    %get3A_20 = arith.constant 0 : index
    %get3A_21 = arith.constant 0 : index
    %get3A_22 = vector.load %arg5[%get3A_19, %get3A_20, %get3A_21] : memref<3x128x128xf32, #tpu.memory_space<vmem>>, vector<1x128x128xf32>
    %get3A_23 = vector.shape_cast %get3A_22 : vector<1x128x128xf32> to vector<128x128xf32>
    %dot_general3A = arith.constant dense<0.000000e+00> : vector<1024x128xf32>
    %dot_general3A_24 = tpu.matmul %get3A_4, %get3A_23, %dot_general3A {dimension_numbers = #tpu.dot_dimension_numbers<[1], [0], [0], [1], [0, 0, 1, 1], [], []>, transpose_lhs_hint = false} : vector<1024x128xf32>, vector<128x128xf32>, vector<1024x128xf32> -> vector<1024x128xf32>
    %get3A_25 = arith.constant 0 : index
    %get3A_26 = arith.constant 0 : index
    %get3A_27 = vector.load %arg4[%get3A_25, %get3A_26] : memref<1024x128xf32, #tpu.memory_space<vmem>>, vector<1024x128xf32>
    %get3A_28 = arith.constant 1 : index
    %get3A_29 = arith.constant 0 : index
    %get3A_30 = arith.constant 0 : index
    %get3A_31 = vector.load %arg5[%get3A_28, %get3A_29, %get3A_30] : memref<3x128x128xf32, #tpu.memory_space<vmem>>, vector<1x128x128xf32>
    %get3A_32 = vector.shape_cast %get3A_31 : vector<1x128x128xf32> to vector<128x128xf32>
    %dot_general3A_33 = arith.constant dense<0.000000e+00> : vector<1024x128xf32>
    %dot_general3A_34 = tpu.matmul %get3A_27, %get3A_32, %dot_general3A_33 {dimension_numbers = #tpu.dot_dimension_numbers<[1], [0], [0], [1], [0, 0, 1, 1], [], []>, transpose_lhs_hint = false} : vector<1024x128xf32>, vector<128x128xf32>, vector<1024x128xf32> -> vector<1024x128xf32>
    %add3A_35 = arith.addf %dot_general3A_24, %dot_general3A_34 : vector<1024x128xf32>
    %get3A_36 = arith.constant 2 : index
    %get3A_37 = arith.constant 0 : index
    %get3A_38 = arith.constant 0 : index
    %get3A_39 = vector.load %arg5[%get3A_36, %get3A_37, %get3A_38] : memref<3x128x128xf32, #tpu.memory_space<vmem>>, vector<1x128x128xf32>
    %get3A_40 = vector.shape_cast %get3A_39 : vector<1x128x128xf32> to vector<128x128xf32>
    %dot_general3A_41 = arith.constant dense<0.000000e+00> : vector<1024x128xf32>
    %dot_general3A_42 = tpu.matmul %sub3A, %get3A_40, %dot_general3A_41 {dimension_numbers = #tpu.dot_dimension_numbers<[1], [0], [0], [1], [0, 0, 1, 1], [], []>, transpose_lhs_hint = false} : vector<1024x128xf32>, vector<128x128xf32>, vector<1024x128xf32> -> vector<1024x128xf32>
    %add3A_43 = arith.addf %add3A_35, %dot_general3A_42 : vector<1024x128xf32>
    %get3A_44 = arith.constant 0 : index
    %get3A_45 = vector.load %arg6[%get3A_44] : memref<128xf32, #tpu.memory_space<vmem>>, vector<128xf32>
    %broadcast_in_dim3A = vector.shape_cast %get3A_45 : vector<128xf32> to vector<1x128xf32>
    %add3A_46 = vector.broadcast %broadcast_in_dim3A : vector<1x128xf32> to vector<1024x128xf32>
    %add3A_47 = arith.addf %add3A_43, %add3A_46 : vector<1024x128xf32>
    %max3A = arith.constant 0.000000e+00 : f32
    %max3A_48 = vector.broadcast %max3A : f32 to vector<1024x128xf32>
    %max3A_49 = arith.maximumf %add3A_47, %max3A_48 : vector<1024x128xf32>
    %swap3A = arith.constant 0 : index
    %swap3A_50 = arith.constant 0 : index
    %swap3A_51 = vector.load %arg7[%swap3A, %swap3A_50] : memref<1024x128xf32, #tpu.memory_space<vmem>>, vector<1024x128xf32>
    tpu.vector_store %arg7[%swap3A, %swap3A_50], %max3A_49 {strides = array<i32>} : memref<1024x128xf32, #tpu.memory_space<vmem>>, vector<1024x128xf32>,
    %mul3A_52 = vector.broadcast %get3A_1 : vector<1024x1xf32> to vector<1024x128xf32>
    %mul3A_53 = arith.mulf %mul3A_52, %max3A_49 : vector<1024x128xf32>
    %swap3A_54 = arith.constant 0 : index
    %swap3A_55 = arith.constant 0 : index
    %swap3A_56 = vector.load %arg8[%swap3A_54, %swap3A_55] : memref<1024x128xf32, #tpu.memory_space<vmem>>, vector<1024x128xf32>
    tpu.vector_store %arg8[%swap3A_54, %swap3A_55], %mul3A_53 {strides = array<i32>} : memref<1024x128xf32, #tpu.memory_space<vmem>>, vector<1024x128xf32>,
    return
  }
  func.func @transform_0(%arg0: i32) -> (i32, i32, i32) {
    %c0_i32 = arith.constant 0 : i32
    %c0_i32_0 = arith.constant 0 : i32
    %c0_i32_1 = arith.constant 0 : i32
    return %c0_i32, %arg0, %c0_i32_0 : i32, i32, i32
  }
  func.func @transform_1(%arg0: i32) -> (i32, i32) {
    %c0_i32 = arith.constant 0 : i32
    %c0_i32_0 = arith.constant 0 : i32
    return %arg0, %c0_i32 : i32, i32
  }
  func.func @transform_2(%arg0: i32) -> (i32, i32) {
    %c0_i32 = arith.constant 0 : i32
    %c0_i32_0 = arith.constant 0 : i32
    return %arg0, %c0_i32 : i32, i32
  }
  func.func @transform_3(%arg0: i32) -> (i32, i32) {
    %c0_i32 = arith.constant 0 : i32
    %c0_i32_0 = arith.constant 0 : i32
    return %arg0, %c0_i32 : i32, i32
  }
  func.func @transform_4(%arg0: i32) -> (i32, i32, i32) {
    %c0_i32 = arith.constant 0 : i32
    %c0_i32_0 = arith.constant 0 : i32
    %c0_i32_1 = arith.constant 0 : i32
    %c0_i32_2 = arith.constant 0 : i32
    return %c0_i32, %c0_i32_0, %c0_i32_1 : i32, i32, i32
  }
  func.func @transform_5(%arg0: i32) -> i32 {
    %c0_i32 = arith.constant 0 : i32
    %c0_i32_0 = arith.constant 0 : i32
    return %c0_i32 : i32
  }
  func.func @transform_6(%arg0: i32) -> (i32, i32) {
    %c0_i32 = arith.constant 0 : i32
    %c0_i32_0 = arith.constant 0 : i32
    return %arg0, %c0_i32 : i32, i32
  }
  func.func @transform_7(%arg0: i32) -> (i32, i32) {
    %c0_i32 = arith.constant 0 : i32
    %c0_i32_0 = arith.constant 0 : i32
    return %arg0, %c0_i32 : i32, i32
  }
}

module attributes {stable_mosaic.version = 14 : i64} {
  func.func @_tc_final_body(%arg0: i32, %arg1: memref<2x1024x128xf32, #tpu.memory_space<vmem>>, %arg2: memref<1024x1xf32, #tpu.memory_space<vmem>>, %arg3: memref<1024x128xf32, #tpu.memory_space<vmem>>, %arg4: memref<1024x128xf32, #tpu.memory_space<vmem>>, %arg5: memref<3x128x128xf32, #tpu.memory_space<vmem>>, %arg6: memref<128xf32, #tpu.memory_space<vmem>>, %arg7: memref<128x2xf32, #tpu.memory_space<vmem>>, %arg8: memref<2xf32, #tpu.memory_space<vmem>>, %arg9: memref<1024x2xf32, #tpu.memory_space<vmem>>) attributes {dimension_semantics = [#tpu.dimension_semantics<arbitrary>], iteration_bounds = array<i64: 10>, scalar_prefetch = 0 : i64, scratch_operands = 0 : i64, tpu.core_type = #tpu.core_type<tc>, window_params = [{transform_indices = @transform_0, window_bounds = array<i64: 2, 1024, 128>}, {transform_indices = @transform_1, window_bounds = array<i64: 1024, 1>}, {transform_indices = @transform_2, window_bounds = array<i64: 1024, 128>}, {transform_indices = @transform_3, window_bounds = array<i64: 1024, 128>}, {pipeline_mode = #tpu.pipeline_mode<synchronous>, transform_indices = @transform_4, window_bounds = array<i64: 3, 128, 128>}, {pipeline_mode = #tpu.pipeline_mode<synchronous>, transform_indices = @transform_5, window_bounds = array<i64: 128>}, {pipeline_mode = #tpu.pipeline_mode<synchronous>, transform_indices = @transform_6, window_bounds = array<i64: 128, 2>}, {pipeline_mode = #tpu.pipeline_mode<synchronous>, transform_indices = @transform_7, window_bounds = array<i64: 2>}, {transform_indices = @transform_8, window_bounds = array<i64: 1024, 2>}]} {
    %get3A = arith.constant 0 : index
    %get3A_0 = arith.constant 0 : index
    %get3A_1 = vector.load %arg2[%get3A, %get3A_0] : memref<1024x1xf32, #tpu.memory_space<vmem>>, vector<1024x1xf32>
    %get3A_2 = arith.constant 0 : index
    %get3A_3 = arith.constant 0 : index
    %get3A_4 = vector.load %arg3[%get3A_2, %get3A_3] : memref<1024x128xf32, #tpu.memory_space<vmem>>, vector<1024x128xf32>
    %get3A_5 = arith.constant 0 : index
    %get3A_6 = arith.constant 0 : index
    %get3A_7 = arith.constant 0 : index
    %get3A_8 = vector.load %arg1[%get3A_5, %get3A_6, %get3A_7] : memref<2x1024x128xf32, #tpu.memory_space<vmem>>, vector<1x1024x128xf32>
    %get3A_9 = vector.shape_cast %get3A_8 : vector<1x1024x128xf32> to vector<1024x128xf32>
    %get3A_10 = arith.constant 1 : index
    %get3A_11 = arith.constant 0 : index
    %get3A_12 = arith.constant 0 : index
    %get3A_13 = vector.load %arg1[%get3A_10, %get3A_11, %get3A_12] : memref<2x1024x128xf32, #tpu.memory_space<vmem>>, vector<1x1024x128xf32>
    %get3A_14 = vector.shape_cast %get3A_13 : vector<1x1024x128xf32> to vector<1024x128xf32>
    %add3A = arith.addf %get3A_9, %get3A_14 : vector<1024x128xf32>
    %mul3A = vector.broadcast %get3A_1 : vector<1024x1xf32> to vector<1024x128xf32>
    %mul3A_15 = arith.mulf %mul3A, %add3A : vector<1024x128xf32>
    %mul3A_16 = arith.constant -2.000000e+00 : f32
    %mul3A_17 = vector.broadcast %mul3A_16 : f32 to vector<1024x128xf32>
    %mul3A_18 = arith.mulf %mul3A_17, %mul3A_15 : vector<1024x128xf32>
    %sub3A = arith.subf %mul3A_18, %get3A_4 : vector<1024x128xf32>
    %get3A_19 = arith.constant 0 : index
    %get3A_20 = arith.constant 0 : index
    %get3A_21 = arith.constant 0 : index
    %get3A_22 = vector.load %arg5[%get3A_19, %get3A_20, %get3A_21] : memref<3x128x128xf32, #tpu.memory_space<vmem>>, vector<1x128x128xf32>
    %get3A_23 = vector.shape_cast %get3A_22 : vector<1x128x128xf32> to vector<128x128xf32>
    %dot_general3A = arith.constant dense<0.000000e+00> : vector<1024x128xf32>
    %dot_general3A_24 = tpu.matmul %get3A_4, %get3A_23, %dot_general3A {dimension_numbers = #tpu.dot_dimension_numbers<[1], [0], [0], [1], [0, 0, 1, 1], [], []>, transpose_lhs_hint = false} : vector<1024x128xf32>, vector<128x128xf32>, vector<1024x128xf32> -> vector<1024x128xf32>
    %get3A_25 = arith.constant 0 : index
    %get3A_26 = arith.constant 0 : index
    %get3A_27 = vector.load %arg4[%get3A_25, %get3A_26] : memref<1024x128xf32, #tpu.memory_space<vmem>>, vector<1024x128xf32>
    %get3A_28 = arith.constant 1 : index
    %get3A_29 = arith.constant 0 : index
    %get3A_30 = arith.constant 0 : index
    %get3A_31 = vector.load %arg5[%get3A_28, %get3A_29, %get3A_30] : memref<3x128x128xf32, #tpu.memory_space<vmem>>, vector<1x128x128xf32>
    %get3A_32 = vector.shape_cast %get3A_31 : vector<1x128x128xf32> to vector<128x128xf32>
    %dot_general3A_33 = arith.constant dense<0.000000e+00> : vector<1024x128xf32>
    %dot_general3A_34 = tpu.matmul %get3A_27, %get3A_32, %dot_general3A_33 {dimension_numbers = #tpu.dot_dimension_numbers<[1], [0], [0], [1], [0, 0, 1, 1], [], []>, transpose_lhs_hint = false} : vector<1024x128xf32>, vector<128x128xf32>, vector<1024x128xf32> -> vector<1024x128xf32>
    %add3A_35 = arith.addf %dot_general3A_24, %dot_general3A_34 : vector<1024x128xf32>
    %get3A_36 = arith.constant 2 : index
    %get3A_37 = arith.constant 0 : index
    %get3A_38 = arith.constant 0 : index
    %get3A_39 = vector.load %arg5[%get3A_36, %get3A_37, %get3A_38] : memref<3x128x128xf32, #tpu.memory_space<vmem>>, vector<1x128x128xf32>
    %get3A_40 = vector.shape_cast %get3A_39 : vector<1x128x128xf32> to vector<128x128xf32>
    %dot_general3A_41 = arith.constant dense<0.000000e+00> : vector<1024x128xf32>
    %dot_general3A_42 = tpu.matmul %sub3A, %get3A_40, %dot_general3A_41 {dimension_numbers = #tpu.dot_dimension_numbers<[1], [0], [0], [1], [0, 0, 1, 1], [], []>, transpose_lhs_hint = false} : vector<1024x128xf32>, vector<128x128xf32>, vector<1024x128xf32> -> vector<1024x128xf32>
    %add3A_43 = arith.addf %add3A_35, %dot_general3A_42 : vector<1024x128xf32>
    %get3A_44 = arith.constant 0 : index
    %get3A_45 = vector.load %arg6[%get3A_44] : memref<128xf32, #tpu.memory_space<vmem>>, vector<128xf32>
    %broadcast_in_dim3A = vector.shape_cast %get3A_45 : vector<128xf32> to vector<1x128xf32>
    %add3A_46 = vector.broadcast %broadcast_in_dim3A : vector<1x128xf32> to vector<1024x128xf32>
    %add3A_47 = arith.addf %add3A_43, %add3A_46 : vector<1024x128xf32>
    %max3A = arith.constant 0.000000e+00 : f32
    %max3A_48 = vector.broadcast %max3A : f32 to vector<1024x128xf32>
    %max3A_49 = arith.maximumf %add3A_47, %max3A_48 : vector<1024x128xf32>
    %get3A_50 = arith.constant 0 : index
    %get3A_51 = arith.constant 0 : index
    %get3A_52 = vector.load %arg7[%get3A_50, %get3A_51] : memref<128x2xf32, #tpu.memory_space<vmem>>, vector<128x2xf32>
    %dot_general3A_53 = arith.constant dense<0.000000e+00> : vector<1024x2xf32>
    %dot_general3A_54 = tpu.matmul %max3A_49, %get3A_52, %dot_general3A_53 {dimension_numbers = #tpu.dot_dimension_numbers<[1], [0], [0], [1], [0, 0, 1, 1], [], []>, transpose_lhs_hint = false} : vector<1024x128xf32>, vector<128x2xf32>, vector<1024x2xf32> -> vector<1024x2xf32>
    %get3A_55 = arith.constant 0 : index
    %get3A_56 = vector.load %arg8[%get3A_55] : memref<2xf32, #tpu.memory_space<vmem>>, vector<2xf32>
    %broadcast_in_dim3A_57 = vector.shape_cast %get3A_56 : vector<2xf32> to vector<1x2xf32>
    %add3A_58 = vector.broadcast %broadcast_in_dim3A_57 : vector<1x2xf32> to vector<1024x2xf32>
    %add3A_59 = arith.addf %dot_general3A_54, %add3A_58 : vector<1024x2xf32>
    %swap3A = arith.constant 0 : index
    %swap3A_60 = arith.constant 0 : index
    %swap3A_61 = vector.load %arg9[%swap3A, %swap3A_60] : memref<1024x2xf32, #tpu.memory_space<vmem>>, vector<1024x2xf32>
    tpu.vector_store %arg9[%swap3A, %swap3A_60], %add3A_59 {strides = array<i32>} : memref<1024x2xf32, #tpu.memory_space<vmem>>, vector<1024x2xf32>,
    return
  }
  func.func @transform_0(%arg0: i32) -> (i32, i32, i32) {
    %c0_i32 = arith.constant 0 : i32
    %c0_i32_0 = arith.constant 0 : i32
    %c0_i32_1 = arith.constant 0 : i32
    return %c0_i32, %arg0, %c0_i32_0 : i32, i32, i32
  }
  func.func @transform_1(%arg0: i32) -> (i32, i32) {
    %c0_i32 = arith.constant 0 : i32
    %c0_i32_0 = arith.constant 0 : i32
    return %arg0, %c0_i32 : i32, i32
  }
  func.func @transform_2(%arg0: i32) -> (i32, i32) {
    %c0_i32 = arith.constant 0 : i32
    %c0_i32_0 = arith.constant 0 : i32
    return %arg0, %c0_i32 : i32, i32
  }
  func.func @transform_3(%arg0: i32) -> (i32, i32) {
    %c0_i32 = arith.constant 0 : i32
    %c0_i32_0 = arith.constant 0 : i32
    return %arg0, %c0_i32 : i32, i32
  }
  func.func @transform_4(%arg0: i32) -> (i32, i32, i32) {
    %c0_i32 = arith.constant 0 : i32
    %c0_i32_0 = arith.constant 0 : i32
    %c0_i32_1 = arith.constant 0 : i32
    %c0_i32_2 = arith.constant 0 : i32
    return %c0_i32, %c0_i32_0, %c0_i32_1 : i32, i32, i32
  }
  func.func @transform_5(%arg0: i32) -> i32 {
    %c0_i32 = arith.constant 0 : i32
    %c0_i32_0 = arith.constant 0 : i32
    return %c0_i32 : i32
  }
  func.func @transform_6(%arg0: i32) -> (i32, i32) {
    %c0_i32 = arith.constant 0 : i32
    %c0_i32_0 = arith.constant 0 : i32
    %c0_i32_1 = arith.constant 0 : i32
    return %c0_i32, %c0_i32_0 : i32, i32
  }
  func.func @transform_7(%arg0: i32) -> i32 {
    %c0_i32 = arith.constant 0 : i32
    %c0_i32_0 = arith.constant 0 : i32
    return %c0_i32 : i32
  }
  func.func @transform_8(%arg0: i32) -> (i32, i32) {
    %c0_i32 = arith.constant 0 : i32
    %c0_i32_0 = arith.constant 0 : i32
    return %arg0, %c0_i32 : i32, i32
  }
}

</mosaic_0001>

<sc_bundles>
// kernel: kernel.12.cloned.1.call-start
scs
__scs_entry_jumppad:
0x0: {  	(pc) =	sbr.rel $0x88, $3  }
0x1: {  	(tag) =	ssettag $0x0;
	lr =	simm.s32 $0x1  }
0x2: {  	[smem:$0x3F99] =	sst lr;
	_ =	strace $0xD0000000  }
0x3: {  	_ = 	snop  }
0x4: {  	_ = 	snop  }
0x5: {  	_ = 	snop  }
0x6: {  	_ = 	snop  }
0x7: {  	_ = 	snop  }
__scs_overlays_trampoline_lowered:
0x8: {  	[smem:$0x3FA8] =	sst s0  }
0x9: {  	[smem:$0x3FA9] =	sst s1  }
0xa: {  	[smem:$0x3FAA] =	sst s2  }
0xb: {  	[smem:$0x3FAB] =	sst s3  }
0xc: {  	[smem:$0x3FAC] =	sst s4  }
0xd: {  	[smem:$0x3FAD] =	sst s5  }
0xe: {  	[smem:$0x3FAE] =	sst s6  }
0xf: {  	[smem:$0x3FAF] =	sst s7  }
0x10: {  	[smem:$0x3FB0] =	sst s8  }
0x11: {  	[smem:$0x3FB1] =	sst s9;
	s0 =	simm.s32 @!p0 $0x0  }
0x12: {  	s1 =	sld [smem:$0x3F97];
	s0 =	simm.s32 @p0 $0x1  }
0x13: {  	[smem:$0x3FB2] =	sst s0;
	s0 =	simm.s32 @!p1 $0x0  }
0x14: {  	s2 =	sld [smem:$0x3F96];
	s0 =	simm.s32 @p1 $0x1  }
0x15: {  	[smem:$0x3FB3] =	sst s0;
	s0 =	simm.s32 @!p2 $0x0  }
0x16: {  	s3 =	sld [smem:$0x3FDB];
	s0 =	simm.s32 @p2 $0x1  }
0x17: {  	s4 =	simm.s32 $0x1BF5;
	[smem:$0x3FB5] =	sst s0  }
0x18: {  	s0 =	sld [smem:$0x3F98];
	_ =	swait.ge [sflag:s4], $0x0  }
0x19: {  	s7 =	sld [smem:$0x3F99]  }
0x1a: {  	s8 =	sadd.s32 $0xFFFFE003, lr  }
0x1b: {  	s9 =	sadd.s32 $0xFFFFFEF7, lr;
	s5 =	simm.s32 $0xFFFFFFFF;
	p2 =	slt.u32 s8, $0xFFFFF086  }
0x1c: {  	p1 =	slt.u32 s9, $0xF7A;
	s5 =	simm.s32 @!p2 $0x0  }
0x1d: {  	s5 =	simm.s32 @p1 $0x1;
	p0 =	seq.s32 s7, s2  }
0x1e: {  	s7 =	smul.u32 @!p0 $0xF7A, s2;
	p2 =	seq.s32 @!p0 s5, $0x0  }
0x1f: {  	s9 =	smul.u32 $0xF7A, s1;
	s8 =	simm.s32 @!p0 $0x1BF5;
	p2 =	por !p2, p0  }
0x20: {  	[sflag:s8] =	ssyncset.s32 @!p0 $0xFFFFF086;
	s6 =	sadd.s32 @!p0 s3, s7;
	s7 =	simm.s32 @!p0 $0x108  }
0x21: {  	s3 =	sadd.s32 s3, s9;
	s6 =	sadd.s32 @!p0 $0x88, s6;
	s7 =	simm.s32 @p2 $0x1082  }
0x22: {  	[simem:s7], [sflag:s8] =	dma.local @!p0 [hbm:s6], $0xF7A  }
0x23: {  	s9 =	sor.u32 $0xD0000000, s2;
	s6 =	simm.s32 $0x108;
	_ =	swait.ge @!p0 [sflag:s8], $0x0  }
0x24: {  	s3 =	sadd.s32 $0x88, s3;
	s6 =	simm.s32 @!p1 $0x1082;
	[sflag:s4] =	ssyncset.s32 $0xFFFFF086  }
0x25: {  	[simem:s6], [sflag:s4] =	dma.local [hbm:s3], $0xF7A  }
0x26: {  	[smem:$0x3F99] =	sst s1;
	(tag) =	ssettag s2;
	_ =	strace s9  }
0x27: {  	s1 =	sld [smem:$0x3FA9]  }
0x28: {  	s2 =	sld [smem:$0x3FAA]  }
0x29: {  	s4 =	sld [smem:$0x3FAC]  }
0x2a: {  	p0 =	seq.s32 s5, $0x0;
	s5 =	sld [smem:$0x3FAD]  }
0x2b: {  	s6 =	sld [smem:$0x3FAE]  }
0x2c: {  	s7 =	sld [smem:$0x3FAF]  }
0x2d: {  	s3 =	simm.s32 $0x108;
	s8 =	sld [smem:$0x3FB0]  }
0x2e: {  	s3 =	simm.s32 @!p0 $0x1082;
	s9 =	sld [smem:$0x3FB1]  }
0x2f: {  	lr =	sadd.s32 s0, s3;
	s0 =	sld [smem:$0x3FA8]  }
0x30: {  	s3 =	sld [smem:$0x3FAB]  }
0x31: {  	[smem:$0x3FB4] =	sst s10  }
0x32: {  	s10 =	sld [smem:$0x3FB2];
	_ =	sdelay $0x3  }
0x33: {  	p0 =	seq.s32 s10, $0x1;
	s10 =	sld [smem:$0x3FB4];
	_ =	sdelay $0x3  }
0x34: {  	[smem:$0x3FB4] =	sst s10  }
0x35: {  	s10 =	sld [smem:$0x3FB3];
	_ =	sdelay $0x3  }
0x36: {  	p1 =	seq.s32 s10, $0x1;
	s10 =	sld [smem:$0x3FB4];
	_ =	sdelay $0x3  }
0x37: {  	[smem:$0x3FB4] =	sst s10  }
0x38: {  	s10 =	sld [smem:$0x3FB5]  }
0x39: {  	_ = 	snop;
	(pc) =	sbr.ind lr, $3  }
0x3a: {  	_ = 	snop  }
0x3b: {  	_ = 	snop  }
0x3c: {  	p2 =	seq.s32 s10, $0x1;
	s10 =	sld [smem:$0x3FB4]  }
0x3d: {  	_ =	shalt  }
0x3e: {  	_ =	shalt  }
0x3f: {  	_ =	shalt  }
0x40: {  	_ =	shalt  }
0x41: {  	_ =	shalt  }
0x42: {  	_ =	shalt  }
0x43: {  	_ =	shalt  }
0x44: {  	_ =	shalt  }
0x45: {  	_ =	shalt  }
0x46: {  	_ =	shalt  }
0x47: {  	_ =	shalt  }
0x48: {  	_ =	shalt  }
0x49: {  	_ =	shalt  }
0x4a: {  	_ =	shalt  }
0x4b: {  	_ =	shalt  }
0x4c: {  	_ =	shalt  }
0x4d: {  	_ =	shalt  }
0x4e: {  	_ =	shalt  }
0x4f: {  	_ =	shalt  }
0x50: {  	_ =	shalt  }
0x51: {  	_ =	shalt  }
0x52: {  	_ =	shalt  }
0x53: {  	_ =	shalt  }
0x54: {  	_ =	shalt  }
0x55: {  	_ =	shalt  }
0x56: {  	_ =	shalt  }
0x57: {  	_ =	shalt  }
0x58: {  	_ =	shalt  }
0x59: {  	_ =	shalt  }
0x5a: {  	_ =	shalt  }
0x5b: {  	_ =	shalt  }
0x5c: {  	_ =	shalt  }
0x5d: {  	_ =	shalt  }
0x5e: {  	_ =	shalt  }
0x5f: {  	_ =	shalt  }
0x60: {  	_ =	shalt  }
0x61: {  	_ =	shalt  }
0x62: {  	_ =	shalt  }
0x63: {  	_ =	shalt  }
0x64: {  	_ =	shalt  }
0x65: {  	_ =	shalt  }
0x66: {  	_ =	shalt  }
0x67: {  	_ =	shalt  }
0x68: {  	_ =	shalt  }
0x69: {  	_ =	shalt  }
0x6a: {  	_ =	shalt  }
0x6b: {  	_ =	shalt  }
0x6c: {  	_ =	shalt  }
0x6d: {  	_ =	shalt  }
0x6e: {  	_ =	shalt  }
0x6f: {  	_ =	shalt  }
0x70: {  	_ =	shalt  }
0x71: {  	_ =	shalt  }
0x72: {  	_ =	shalt  }
0x73: {  	_ =	shalt  }
0x74: {  	_ =	shalt  }
0x75: {  	_ =	shalt  }
0x76: {  	_ =	shalt  }
0x77: {  	_ =	shalt  }
0x78: {  	_ =	shalt  }
0x79: {  	_ =	shalt  }
0x7a: {  	_ =	shalt  }
0x7b: {  	_ =	shalt  }
0x7c: {  	_ =	shalt  }
0x7d: {  	_ =	shalt  }
0x7e: {  	_ =	shalt  }
0x7f: {  	_ =	shalt  }
0x80: {  	_ =	shalt  }
0x81: {  	_ =	shalt  }
0x82: {  	_ =	shalt  }
0x83: {  	_ =	shalt  }
0x84: {  	_ =	shalt  }
0x85: {  	_ =	shalt  }
0x86: {  	_ =	shalt  }
0x87: {  	_ =	shalt  }
.Lfunc_end0:
.L_simem_size_0:
called_computation_lowered:
.L_overlay_start_0:
0x88: {  	s2 =	sld [smem:$0x3FD9]  }
0x89: {  	s3 =	sld [smem:$0x3FFE];
	_ =	sdelay $0x1  }
0x8a: {  	s1 =	srdreg.scid  }
0x8b: {  	s0 =	sand.u32 $0x1, s1  }
0x8c: {  	s16 =	sshll.u32 s0, $0xA;
	s2 =	sadd.s32 s3, s2  }
0x8d: {  	s2 =	sadd.s32 s2, s16  }
0x8e: {  	[smem:$0x3FC0] =	sst s2  }
0x8f: {  	_ = 	snop  }
0x90: {  	(tm) =	ssettm $0x1  }
0x91: {  	s17 =	sld [smem:$0x3FFB];
	_ =	sdelay $0x3  }
0x92: {  	_ =	strace s17  }
0x93: {  	s2 =	sld [smem:$0x3FFC];
	_ =	sdelay $0x3  }
0x94: {  	_ =	strace s2  }
0x95: {  	s2 =	sld [smem:$0x3FFD];
	_ =	sdelay $0x3  }
0x96: {  	_ =	strace s2  }
0x97: {  	_ =	strace $0x8FFFFFFF  }
0x98: {  	s18 =	sld [smem:$0x3FDB];
	_ =	sdelay $0x1  }
0x99: {  	s19 =	simm.s32 $_scs_section_size  }
0x9a: {  	s4 =	simm.s32 $_size__tile_overlayer_lowered;
	s5 =	simm.s32 $_tile_overlayer_lowered  }
0x9b: {  	s22 =	simm.s32 $0x1BFF;
	s21 =	sshll.u32 s5, $0x1;
	s2 =	sadd.s32 s19, s18  }
0x9c: {  	s6 =	simm.s32 $0x0;
	s20 =	sshll.u32 s4, $0x1;
	s4 =	sadd.s32 s21, s2  }
0x9d: {  	[timem:s6], [sflag:s22] =	dma.local [hbm:s4], s20  }
0x9e: {  	_ =	swait.ge [sflag:s22], s20  }
0x9f: {  	s3 =	ssub.s32 $0x0, s20;
	[sflag:s22] =	ssyncset.done $0x0  }
0xa0: {  	[sflag:s22] =	ssyncadd.s32 s3;
	_ =	sdelay $0x1  }
0xa1: {  	s23 =	simm.s32 $0x1B8B  }
0xa2: {  	_ =	swait.ge [sflag:s23], $0x1  }
0xa3: {  	[sflag:s23] =	ssyncset.done $0x0  }
0xa4: {  	s25 =	simm.s32 $0x1B8E;
	s24 =	sld [smem:$0x3FFE];
	[sflag:s23] =	ssyncadd.s32 $0xFFFFFFFF  }
0xa5: {  	s26 =	simm.s32 $execute0_lowered;
	[smem:$0x3FD2] =	sst s25  }
0xa6: {  	s4 =	sshll.u32 s26, $0x1;
	_ =	strace $0x80000046;
	[dreg:$0x1] =	wrdreg $0xFFFFFFFF  }
0xa7: {  	s28 =	simm.s32 $_size_execute0_lowered;
	s2 =	sadd.s32 s2, s4;
	[dreg:$0x0] =	wrdreg $0x0  }
0xa8: {  	s4 =	sshll.u32 s28, $0x1;
	[dreg:$0x2] =	wrdreg s2  }
0xa9: {  	[dreg:$0x3] =	wrdreg s4  }
0xaa: {  	[dreg:$0x4] =	wrdreg $0xC0  }
0xab: {  	_ =	task [dreg:s6], $0x5FFFF  }
0xac: {  	[dreg:$0x1] =	wrdreg $0xFFFFFFFF  }
0xad: {  	[dreg:$0x0] =	wrdreg $0x60  }
0xae: {  	[dreg:$0x2] =	wrdreg s24  }
0xaf: {  	[dreg:$0x3] =	wrdreg $0x7B000  }
0xb0: {  	[dreg:$0x4] =	wrdreg $0x9  }
0xb1: {  	_ =	task.clear_ibuf [dreg:s6], $0x5FFFF;
	_ =	strace $0x90000046  }
0xb2: {  	s29 =	simm.s32 $0x9;
	_ =	strace $0x80000048  }
0xb3: {  	_ =	swait.ge [sflag:s29], $0x1  }
0xb4: {  	[sflag:s29] =	ssyncadd.s32 $0xFFFFFFFF  }
0xb5: {  	_ =	strace $0x90000048  }
0xb6: {  	_ =	sfence  }
0xb7: {  	s30 =	sld [smem:$0x0];
	_ =	sdelay $0x2  }
0xb8: {  	s31 =	sshll.u32 s1, $0xD;
	s1 =	sshrl.u32 s1, $0x2  }
0xb9: {  	s3 =	sand.u32 $0x4000, s31;
	s1 =	sadd.s32 s1, s30  }
0xba: {  	s0 =	sor.u32 s3, s0;
	s1 =	sshll.u32 s1, $0x11  }
0xbb: {  	s0 =	sor.u32 s1, s0  }
0xbc: {  	s0 =	sadd.s32 $0x8F2B, s0  }
0xbd: {  	[sflag:s0] =	ssyncadd.remote.s32 $0x1  }
0xbe: {  	_ =	sfence.sel $0xFFFF  }
0xbf: {  	[dreg:$0x0] =	wrdreg $0xFFFFFFFF;
	(pc) =	sbr.abs _section_cstart, $3  }
0xc0: {  	[dreg:$0x1] =	wrdreg $0xFFFFFFFF  }
0xc1: {  	_ =	task.clear_ibuf [dreg:s6], $0x2FFFF;
	_ =	strace $0x9FFFFFFF  }
0xc2: {  	(tm) =	ssettm $0x7FFFFFFF  }
0xc3: {  	_ =	shalt  }
tec
execute0_lowered:
.L_overlay_start_1:
0x0: {  	(tag) =	ssettag $0x1  }
0x1: {  	s4 =	rddreg [dreg:$0x0]  }
0x2: {  	s2 =	rddreg [dreg:$0x1]  }
0x3: {  	s0 =	rddreg [dreg:$0x2]  }
0x4: {  	s3 =	srdreg.scid;
	s1 =	stileid.u32  }
0x5: {  	s11 =	simm.s32 $0x1;
	s12 =	simm.s32 $0x2800;
	s13 =	simm.s32 $0x5000  }
0x6: {  	s14 =	simm.s32 $0x80;
	s15 =	simm.s32 $0x7800;
	s18 =	simm.s32 $0x20  }
0x7: {  	s19 =	simm.s32 $0x10;
	s20 =	simm.s32 $0x0;
	s5 =	sand.u32 $0x1, s3  }
0x8: {  	s6 =	smul.u32 $0x500, s1;
	s7 =	sshll.u32 s1, $0x1;
	s3 =	simm.s32 $0x0  }
0x9: {  	s29 =	smul.u32 $0xA00, s1;
	s16 =	sshll.u32 s1, $0x6;
	s8 =	sshll.u32 s5, $0x7  }
0xa: {  	s7 =	sor.u32 s5, s7;
	[smem:$0x7FF] =	sst s3;
	s5 =	ssub.s32 $0x2, s5  }
0xb: {  	s16 =	sor.u32 $0x1C01, s16;
	s6 =	sor.u32 s8, s6;
	s7 =	smul.u32 $0x500, s7  }
0xc: {  	_ =	strace $0x80000047;
	s30 =	sshrl.u32 s5, $0x1;
	s31 =	sshrl.u32 s29, $0x2  }
0xd: {  	s6 =	sshrl.u32 s6, $0x3;
	s10 =	ssub.s32 s5, s30;
	s7 =	sadd.s32 s7, s4  }
0xe: {  	s9 =	sadd.s32 s6, s4;
	s4 =	sadd.s32 s31, s2;
	s5 =	sadd.s32 $0xD600, s7  }
0xf: {  	s6 =	sadd.s32 $0x3600, s7;
	s7 =	sadd.s32 $0x18000, s7;
	s8 =	sadd.s32 $0x17600, s9  }
0x10: {  	v0 =	vimm.f32 $0.0e+00;
	v1 =	vimm.f32 $1.000000000e+00;
	s9 =	smax.u32 s10, $0x1;
	s10 =	simm.s32 $0x7880;
	s17 =	sshrl.u32 s4, $0x3  }
.LBB2_1:
0x11: {  	[tilespmem:$0x7880] =	vst v0  }
0x12: {  	[tilespmem:$0x7890] =	vst v0  }
0x13: {  	[tilespmem:$0x78A0] =	vst v0  }
0x14: {  	[tilespmem:$0x78B0] =	vst v0  }
0x15: {  	[tilespmem:$0x78C0] =	vst v0  }
0x16: {  	[tilespmem:$0x78D0] =	vst v0  }
0x17: {  	[tilespmem:$0x78E0] =	vst v0  }
0x18: {  	[tilespmem:$0x78F0] =	vst v0  }
0x19: {  	[tilespmem:$0x7900] =	vst v0  }
0x1a: {  	[tilespmem:$0x7910] =	vst v0  }
0x1b: {  	[tilespmem:$0x7920] =	vst v0  }
0x1c: {  	[tilespmem:$0x7930] =	vst v0  }
0x1d: {  	[tilespmem:$0x7940] =	vst v0  }
0x1e: {  	[tilespmem:$0x7950] =	vst v0  }
0x1f: {  	[tilespmem:$0x7960] =	vst v0  }
0x20: {  	[tilespmem:$0x7970] =	vst v0  }
0x21: {  	[tilespmem:$0x7980] =	vst v0  }
0x22: {  	[tilespmem:$0x7990] =	vst v0  }
0x23: {  	[tilespmem:$0x79A0] =	vst v0  }
0x24: {  	[tilespmem:$0x79B0] =	vst v0  }
0x25: {  	[tilespmem:$0x79C0] =	vst v0  }
0x26: {  	[tilespmem:$0x79D0] =	vst v0  }
0x27: {  	[tilespmem:$0x79E0] =	vst v0  }
0x28: {  	[tilespmem:$0x79F0] =	vst v0  }
0x29: {  	[tilespmem:$0x7A00] =	vst v0  }
0x2a: {  	[tilespmem:$0x7A10] =	vst v0  }
0x2b: {  	[tilespmem:$0x7A20] =	vst v0  }
0x2c: {  	[tilespmem:$0x7A30] =	vst v0  }
0x2d: {  	[tilespmem:$0x7A40] =	vst v0  }
0x2e: {  	[tilespmem:$0x7A50] =	vst v0  }
0x2f: {  	[tilespmem:$0x7A60] =	vst v0  }
0x30: {  	[tilespmem:$0x7A70] =	vst v0  }
0x31: {  	[tilespmem:$0x7A80] =	vst v0  }
0x32: {  	[tilespmem:$0x7A90] =	vst v0  }
0x33: {  	[tilespmem:$0x7AA0] =	vst v0  }
0x34: {  	[tilespmem:$0x7AB0] =	vst v0  }
0x35: {  	[tilespmem:$0x7AC0] =	vst v0  }
0x36: {  	[tilespmem:$0x7AD0] =	vst v0  }
0x37: {  	[tilespmem:$0x7AE0] =	vst v0  }
0x38: {  	[tilespmem:$0x7AF0] =	vst v0  }
0x39: {  	[spmem:s4] =	stream.linear.scatter [tilespmem:s10], [sflag:$0x1], $0x280, $0x38;
	[tilespmem:$0x7D80] =	vst v63  }
0x3a: {  	_ =	swait.ge [sflag:s11], $0x280  }
0x3b: {  	[sflag:s11] =	ssyncset.done $0x0  }
0x3c: {  	[sflag:s11] =	ssyncadd.s32 $0xFFFFFD80  }
0x3d: {  	[tilespmem:$0x7800] =	vst v1  }
0x3e: {  	[tilespmem:$0x7810] =	vst v1  }
0x3f: {  	[tilespmem:$0x7820] =	vst v1  }
0x40: {  	[tilespmem:$0x7830] =	vst v1  }
0x41: {  	[tilespmem:$0x7840] =	vst v1  }
0x42: {  	[tilespmem:$0x7850] =	vst v1  }
0x43: {  	[tilespmem:$0x7860] =	vst v1  }
0x44: {  	[tilespmem:$0x7870] =	vst v1  }
0x45: {  	[tilespmem:s3], [sflag:$0x1] =	stream.linear.gather [hbm4b:s5+s3], $0x2780, $0x38;
	[tilespmem:$0x7D80] =	vst v63  }
0x46: {  	_ =	swait.ge [sflag:s11], $0x2780  }
0x47: {  	[sflag:s11] =	ssyncset.done $0x0  }
0x48: {  	[sflag:s11] =	ssyncadd.s32 $0xFFFFD880  }
0x49: {  	[tilespmem:s12], [sflag:$0x1] =	stream.linear.gather [hbm4b:s6+s3], $0x2780, $0x38;
	[tilespmem:$0x7D80] =	vst v63  }
0x4a: {  	_ =	swait.ge [sflag:s11], $0x2780  }
0x4b: {  	[sflag:s11] =	ssyncset.done $0x0  }
0x4c: {  	s21 =	simm.s32 $0x0;
	[sflag:s11] =	ssyncadd.s32 $0xFFFFD880  }
0x4d: {  	v2 =	vld [tilespmem:s21+$0x0]  }
0x4e: {  	s22 =	simm.s32 $0x40;
	v3 =	vld [tilespmem:s21+$0x2800]  }
.LBB2_2:
0x4f: {  	_ = 	snop  }
0x50: {  	p0 =	sne.s32 s22, $0x9DC0  }
.Ltmp0:
0x51: {  	_ = 	snop;
	(pc) =	sbr.rel @p0 .LBB2_2-.Ltmp0, $4  }
0x52: {  	v4 =	vmov v2  }
0x53: {  	s23 =	sshra.s32 s22, $0x2;
	vm0 =	veq.s32 v4, v3  }
0x54: {  	v2 =	vld [tilespmem:s23+$0x0];
	v4 =	vsel vm0, $0x2710, v4  }
0x55: {  	s22 =	sadd.s32 $0x40, s22;
	v3 =	vld [tilespmem:s23+$0x2800];
	[tilespmem:s21+$0x5000] =	vst v4;
	s21 =	smov.u32 s23  }
0x56: {  	_ =	sdelay $0x3  }
0x57: {  	vm0 =	veq.s32 v2, v3  }
0x58: {  	v2 =	vsel vm0, $0x2710, v2  }
0x59: {  	s30 =	simm.s32 $0x0;
	[tilespmem:s21+$0x5000] =	vst v2  }
0x5a: {  	[hbm4b:s7+s30] =	stream.linear.scatter [tilespmem:s13], [sflag:$0x1], $0x2780, $0x38;
	[tilespmem:$0x7D80] =	vst v63  }
0x5b: {  	_ =	swait.ge [sflag:s11], $0x2780  }
0x5c: {  	[sflag:s11] =	ssyncset.done $0x0  }
0x5d: {  	[sflag:s11] =	ssyncadd.s32 $0xFFFFD880  }
0x5e: {  	s31 =	simm.s32 $0x5000;
	[bflag:$0x0] =	sbarrier.arrive $0xFFFF  }
0x5f: {  	[spmem:s2] =	stream.indirect.scatter.add.f32 [tilespmem:s15], [sflag:$0x1], $0x1, s31, s14, $0xb8;
	[tilespmem:$0x7D80] =	vst v63  }
0x60: {  	s21 =	simm.s32 $0x200;
	_ =	swait.ge [sflag:s11], $0x80  }
.LBB2_4:
0x61: {  	s22 =	sshra.s32 s21, $0x2;
	[sflag:s11] =	ssyncset.done $0x0;
	p0 =	sne.s32 s21, $0x9C00  }
.Ltmp1:
0x62: {  	s22 =	sadd.s32 $0x5000, s22;
	[sflag:s11] =	ssyncadd.s32 $0xFFFFFF80;
	(pc) =	sbr.rel @p0 .LBB2_4-.Ltmp1, $3  }
0x63: {  	[spmem:s2] =	stream.indirect.scatter.add.f32 [tilespmem:s15], [sflag:$0x1], $0x1, s22, s14, $0xb8;
	[tilespmem:$0x7D80] =	vst v63  }
0x64: {  	s21 =	sadd.s32 $0x200, s21;
	_ =	sdelay $0x1  }
0x65: {  	_ =	swait.ge [sflag:s11], $0x80  }
0x66: {  	[sflag:s11] =	ssyncset.done $0x0;
	s20 =	sadd.s32 $0x1, s20  }
0x67: {  	[sflag:s11] =	ssyncadd.s32 $0xFFFFFF80;
	p0 =	sne.s32 s20, s9  }
.Ltmp2:
0x68: {  	[bflag:$0x0] =	sbarrier.arrive $0xFFFF;
	(pc) =	sbr.rel @p0 .LBB2_1-.Ltmp2, $4  }
0x69: {  	[hbm:s8@s18], [sflag:s16] =	dma.strided [spmem:s17@s19], $0x50, s11, $0x10   }
0x6a: {  	_ =	swait.ge [sflag:s11], $0x50  }
0x6b: {  	[sflag:s11] =	ssyncset.done $0x0  }
0x6c: {  	[sflag:s11] =	ssyncadd.s32 $0xFFFFFFB0  }
0x6d: {  	_ =	sfence.sel $0x180000  }
0x6e: {  	[bflag:$0x0] =	sbarrier.arrive $0xFFFF  }
0x6f: {  	p0 =	sne.s32 s1, $0x0;
	_ =	strace $0x90000047  }
0x70: {  	s0 =	sadd.s32 @!p0 $0x100000, s0;
	[bflag:$0x2] =	sbarrier.arrive $0xFFFF  }
0x71: {  	[sflag:s0] =	ssyncadd.tile.s32 @!p0 $0x1;
	_ =	shalt  }
.Lfunc_end2:
_tile_overlayer_lowered:
.L_overlay_start_2:
0x72: {  	(tag) =	ssettag $0x2  }
0x73: {  	s0 =	rddreg [dreg:$0x0];
	s2 =	stileid.u32  }
0x74: {  	s1 =	rddreg [dreg:$0x1];
	p0 =	sne.s32 s2, $0x0  }
0x75: {  	s3 =	rddreg [dreg:$0x2];
	[bflag:$0x3] =	sbarrier.arrive $0xFFFF;
	s2 =	simm.s32 @!p0 $0x1C01  }
0x76: {  	[timem:s3], [sflag:s2] =	dma.local @!p0 [hbm:s0], s1  }
0x77: {  	s0 =	simm.s32 @!p0 $0x1  }
0x78: {  	_ =	swait.ge @!p0 [sflag:s0], s1  }
0x79: {  	s1 =	ssub.s32 @!p0 $0x0, s1;
	[sflag:s0] =	ssyncset.done @!p0 $0x0  }
0x7a: {  	[sflag:s0] =	ssyncadd.s32 @!p0 s1  }
0x7b: {  	[bflag:$0x3] =	sbarrier.arrive $0xFFFF  }
0x7c: {  	_ =	shalt  }

// kernel: kernel.15.cloned.1.call-start
scs
__scs_entry_jumppad:
0x0: {  	(pc) =	sbr.rel $0x88, $3  }
0x1: {  	(tag) =	ssettag $0x0;
	lr =	simm.s32 $0x1  }
0x2: {  	[smem:$0x3F99] =	sst lr;
	_ =	strace $0xD0000000  }
0x3: {  	_ = 	snop  }
0x4: {  	_ = 	snop  }
0x5: {  	_ = 	snop  }
0x6: {  	_ = 	snop  }
0x7: {  	_ = 	snop  }
__scs_overlays_trampoline_lowered:
0x8: {  	[smem:$0x3FA8] =	sst s0  }
0x9: {  	[smem:$0x3FA9] =	sst s1  }
0xa: {  	[smem:$0x3FAA] =	sst s2  }
0xb: {  	[smem:$0x3FAB] =	sst s3  }
0xc: {  	[smem:$0x3FAC] =	sst s4  }
0xd: {  	[smem:$0x3FAD] =	sst s5  }
0xe: {  	[smem:$0x3FAE] =	sst s6  }
0xf: {  	[smem:$0x3FAF] =	sst s7  }
0x10: {  	[smem:$0x3FB0] =	sst s8  }
0x11: {  	[smem:$0x3FB1] =	sst s9;
	s0 =	simm.s32 @!p0 $0x0  }
0x12: {  	s1 =	sld [smem:$0x3F97];
	s0 =	simm.s32 @p0 $0x1  }
0x13: {  	[smem:$0x3FB2] =	sst s0;
	s0 =	simm.s32 @!p1 $0x0  }
0x14: {  	s2 =	sld [smem:$0x3F96];
	s0 =	simm.s32 @p1 $0x1  }
0x15: {  	[smem:$0x3FB3] =	sst s0;
	s0 =	simm.s32 @!p2 $0x0  }
0x16: {  	s3 =	sld [smem:$0x3FDB];
	s0 =	simm.s32 @p2 $0x1  }
0x17: {  	s4 =	simm.s32 $0x1BF5;
	[smem:$0x3FB5] =	sst s0  }
0x18: {  	s0 =	sld [smem:$0x3F98];
	_ =	swait.ge [sflag:s4], $0x0  }
0x19: {  	s7 =	sld [smem:$0x3F99]  }
0x1a: {  	s8 =	sadd.s32 $0xFFFFE003, lr  }
0x1b: {  	s9 =	sadd.s32 $0xFFFFFEF7, lr;
	s5 =	simm.s32 $0xFFFFFFFF;
	p2 =	slt.u32 s8, $0xFFFFF086  }
0x1c: {  	p1 =	slt.u32 s9, $0xF7A;
	s5 =	simm.s32 @!p2 $0x0  }
0x1d: {  	s5 =	simm.s32 @p1 $0x1;
	p0 =	seq.s32 s7, s2  }
0x1e: {  	s7 =	smul.u32 @!p0 $0xF7A, s2;
	p2 =	seq.s32 @!p0 s5, $0x0  }
0x1f: {  	s9 =	smul.u32 $0xF7A, s1;
	s8 =	simm.s32 @!p0 $0x1BF5;
	p2 =	por !p2, p0  }
0x20: {  	[sflag:s8] =	ssyncset.s32 @!p0 $0xFFFFF086;
	s6 =	sadd.s32 @!p0 s3, s7;
	s7 =	simm.s32 @!p0 $0x108  }
0x21: {  	s3 =	sadd.s32 s3, s9;
	s6 =	sadd.s32 @!p0 $0x88, s6;
	s7 =	simm.s32 @p2 $0x1082  }
0x22: {  	[simem:s7], [sflag:s8] =	dma.local @!p0 [hbm:s6], $0xF7A  }
0x23: {  	s9 =	sor.u32 $0xD0000000, s2;
	s6 =	simm.s32 $0x108;
	_ =	swait.ge @!p0 [sflag:s8], $0x0  }
0x24: {  	s3 =	sadd.s32 $0x88, s3;
	s6 =	simm.s32 @!p1 $0x1082;
	[sflag:s4] =	ssyncset.s32 $0xFFFFF086  }
0x25: {  	[simem:s6], [sflag:s4] =	dma.local [hbm:s3], $0xF7A  }
0x26: {  	[smem:$0x3F99] =	sst s1;
	(tag) =	ssettag s2;
	_ =	strace s9  }
0x27: {  	s1 =	sld [smem:$0x3FA9]  }
0x28: {  	s2 =	sld [smem:$0x3FAA]  }
0x29: {  	s4 =	sld [smem:$0x3FAC]  }
0x2a: {  	p0 =	seq.s32 s5, $0x0;
	s5 =	sld [smem:$0x3FAD]  }
0x2b: {  	s6 =	sld [smem:$0x3FAE]  }
0x2c: {  	s7 =	sld [smem:$0x3FAF]  }
0x2d: {  	s3 =	simm.s32 $0x108;
	s8 =	sld [smem:$0x3FB0]  }
0x2e: {  	s3 =	simm.s32 @!p0 $0x1082;
	s9 =	sld [smem:$0x3FB1]  }
0x2f: {  	lr =	sadd.s32 s0, s3;
	s0 =	sld [smem:$0x3FA8]  }
0x30: {  	s3 =	sld [smem:$0x3FAB]  }
0x31: {  	[smem:$0x3FB4] =	sst s10  }
0x32: {  	s10 =	sld [smem:$0x3FB2];
	_ =	sdelay $0x3  }
0x33: {  	p0 =	seq.s32 s10, $0x1;
	s10 =	sld [smem:$0x3FB4];
	_ =	sdelay $0x3  }
0x34: {  	[smem:$0x3FB4] =	sst s10  }
0x35: {  	s10 =	sld [smem:$0x3FB3];
	_ =	sdelay $0x3  }
0x36: {  	p1 =	seq.s32 s10, $0x1;
	s10 =	sld [smem:$0x3FB4];
	_ =	sdelay $0x3  }
0x37: {  	[smem:$0x3FB4] =	sst s10  }
0x38: {  	s10 =	sld [smem:$0x3FB5]  }
0x39: {  	_ = 	snop;
	(pc) =	sbr.ind lr, $3  }
0x3a: {  	_ = 	snop  }
0x3b: {  	_ = 	snop  }
0x3c: {  	p2 =	seq.s32 s10, $0x1;
	s10 =	sld [smem:$0x3FB4]  }
0x3d: {  	_ =	shalt  }
0x3e: {  	_ =	shalt  }
0x3f: {  	_ =	shalt  }
0x40: {  	_ =	shalt  }
0x41: {  	_ =	shalt  }
0x42: {  	_ =	shalt  }
0x43: {  	_ =	shalt  }
0x44: {  	_ =	shalt  }
0x45: {  	_ =	shalt  }
0x46: {  	_ =	shalt  }
0x47: {  	_ =	shalt  }
0x48: {  	_ =	shalt  }
0x49: {  	_ =	shalt  }
0x4a: {  	_ =	shalt  }
0x4b: {  	_ =	shalt  }
0x4c: {  	_ =	shalt  }
0x4d: {  	_ =	shalt  }
0x4e: {  	_ =	shalt  }
0x4f: {  	_ =	shalt  }
0x50: {  	_ =	shalt  }
0x51: {  	_ =	shalt  }
0x52: {  	_ =	shalt  }
0x53: {  	_ =	shalt  }
0x54: {  	_ =	shalt  }
0x55: {  	_ =	shalt  }
0x56: {  	_ =	shalt  }
0x57: {  	_ =	shalt  }
0x58: {  	_ =	shalt  }
0x59: {  	_ =	shalt  }
0x5a: {  	_ =	shalt  }
0x5b: {  	_ =	shalt  }
0x5c: {  	_ =	shalt  }
0x5d: {  	_ =	shalt  }
0x5e: {  	_ =	shalt  }
0x5f: {  	_ =	shalt  }
0x60: {  	_ =	shalt  }
0x61: {  	_ =	shalt  }
0x62: {  	_ =	shalt  }
0x63: {  	_ =	shalt  }
0x64: {  	_ =	shalt  }
0x65: {  	_ =	shalt  }
0x66: {  	_ =	shalt  }
0x67: {  	_ =	shalt  }
0x68: {  	_ =	shalt  }
0x69: {  	_ =	shalt  }
0x6a: {  	_ =	shalt  }
0x6b: {  	_ =	shalt  }
0x6c: {  	_ =	shalt  }
0x6d: {  	_ =	shalt  }
0x6e: {  	_ =	shalt  }
0x6f: {  	_ =	shalt  }
0x70: {  	_ =	shalt  }
0x71: {  	_ =	shalt  }
0x72: {  	_ =	shalt  }
0x73: {  	_ =	shalt  }
0x74: {  	_ =	shalt  }
0x75: {  	_ =	shalt  }
0x76: {  	_ =	shalt  }
0x77: {  	_ =	shalt  }
0x78: {  	_ =	shalt  }
0x79: {  	_ =	shalt  }
0x7a: {  	_ =	shalt  }
0x7b: {  	_ =	shalt  }
0x7c: {  	_ =	shalt  }
0x7d: {  	_ =	shalt  }
0x7e: {  	_ =	shalt  }
0x7f: {  	_ =	shalt  }
0x80: {  	_ =	shalt  }
0x81: {  	_ =	shalt  }
0x82: {  	_ =	shalt  }
0x83: {  	_ =	shalt  }
0x84: {  	_ =	shalt  }
0x85: {  	_ =	shalt  }
0x86: {  	_ =	shalt  }
0x87: {  	_ =	shalt  }
.Lfunc_end0:
.L_simem_size_0:
called_computation.1_lowered:
.L_overlay_start_0:
0x88: {  	s2 =	sld [smem:$0x3FD9]  }
0x89: {  	s3 =	sld [smem:$0x3FFE];
	_ =	sdelay $0x1  }
0x8a: {  	s1 =	srdreg.scid  }
0x8b: {  	s0 =	sand.u32 $0x1, s1  }
0x8c: {  	s16 =	sshll.u32 s0, $0xA;
	s2 =	sadd.s32 s3, s2  }
0x8d: {  	s2 =	sadd.s32 s2, s16  }
0x8e: {  	[smem:$0x3FC0] =	sst s2  }
0x8f: {  	_ = 	snop  }
0x90: {  	(tm) =	ssettm $0x1  }
0x91: {  	s17 =	sld [smem:$0x3FFB];
	_ =	sdelay $0x3  }
0x92: {  	_ =	strace s17  }
0x93: {  	s2 =	sld [smem:$0x3FFC];
	_ =	sdelay $0x3  }
0x94: {  	_ =	strace s2  }
0x95: {  	s2 =	sld [smem:$0x3FFD];
	_ =	sdelay $0x3  }
0x96: {  	_ =	strace s2  }
0x97: {  	_ =	strace $0x8FFFFFFF  }
0x98: {  	s18 =	sld [smem:$0x3FDB];
	_ =	sdelay $0x1  }
0x99: {  	s19 =	simm.s32 $_scs_section_size  }
0x9a: {  	s4 =	simm.s32 $_size__tile_overlayer_lowered;
	s5 =	simm.s32 $_tile_overlayer_lowered  }
0x9b: {  	s22 =	simm.s32 $0x1BFF;
	s21 =	sshll.u32 s5, $0x1;
	s2 =	sadd.s32 s19, s18  }
0x9c: {  	s6 =	simm.s32 $0x0;
	s20 =	sshll.u32 s4, $0x1;
	s4 =	sadd.s32 s21, s2  }
0x9d: {  	[timem:s6], [sflag:s22] =	dma.local [hbm:s4], s20  }
0x9e: {  	_ =	swait.ge [sflag:s22], s20  }
0x9f: {  	s3 =	ssub.s32 $0x0, s20;
	[sflag:s22] =	ssyncset.done $0x0  }
0xa0: {  	[sflag:s22] =	ssyncadd.s32 s3;
	_ =	sdelay $0x1  }
0xa1: {  	s23 =	simm.s32 $0x1B8B  }
0xa2: {  	_ =	swait.ge [sflag:s23], $0x1  }
0xa3: {  	[sflag:s23] =	ssyncset.done $0x0  }
0xa4: {  	s25 =	simm.s32 $0x1B8E;
	s24 =	sld [smem:$0x3FFE];
	[sflag:s23] =	ssyncadd.s32 $0xFFFFFFFF  }
0xa5: {  	s26 =	simm.s32 $execute0_lowered;
	[smem:$0x3FD2] =	sst s25  }
0xa6: {  	s4 =	sshll.u32 s26, $0x1;
	_ =	strace $0x80000049;
	[dreg:$0x1] =	wrdreg $0xFFFFFFFF  }
0xa7: {  	s28 =	simm.s32 $_size_execute0_lowered;
	s2 =	sadd.s32 s2, s4;
	[dreg:$0x0] =	wrdreg $0x0  }
0xa8: {  	s4 =	sshll.u32 s28, $0x1;
	[dreg:$0x2] =	wrdreg s2  }
0xa9: {  	[dreg:$0x3] =	wrdreg s4  }
0xaa: {  	[dreg:$0x4] =	wrdreg $0xC0  }
0xab: {  	_ =	task [dreg:s6], $0x5FFFF  }
0xac: {  	[dreg:$0x1] =	wrdreg $0xFFFFFFFF  }
0xad: {  	[dreg:$0x0] =	wrdreg $0x60  }
0xae: {  	[dreg:$0x2] =	wrdreg s24  }
0xaf: {  	[dreg:$0x3] =	wrdreg $0x90000  }
0xb0: {  	[dreg:$0x4] =	wrdreg $0x9  }
0xb1: {  	_ =	task.clear_ibuf [dreg:s6], $0x5FFFF;
	_ =	strace $0x90000049  }
0xb2: {  	s29 =	simm.s32 $0x9;
	_ =	strace $0x8000004B  }
0xb3: {  	_ =	swait.ge [sflag:s29], $0x1  }
0xb4: {  	[sflag:s29] =	ssyncadd.s32 $0xFFFFFFFF  }
0xb5: {  	_ =	strace $0x9000004B  }
0xb6: {  	_ =	sfence  }
0xb7: {  	s30 =	sld [smem:$0x0];
	_ =	sdelay $0x2  }
0xb8: {  	s31 =	sshll.u32 s1, $0xD;
	s1 =	sshrl.u32 s1, $0x2  }
0xb9: {  	s3 =	sand.u32 $0x4000, s31;
	s1 =	sadd.s32 s1, s30  }
0xba: {  	s0 =	sor.u32 s3, s0;
	s1 =	sshll.u32 s1, $0x11  }
0xbb: {  	s0 =	sor.u32 s1, s0  }
0xbc: {  	s0 =	sadd.s32 $0x8F2B, s0  }
0xbd: {  	[sflag:s0] =	ssyncadd.remote.s32 $0x1  }
0xbe: {  	_ =	sfence.sel $0xFFFF  }
0xbf: {  	[dreg:$0x0] =	wrdreg $0xFFFFFFFF;
	(pc) =	sbr.abs _section_cstart, $3  }
0xc0: {  	[dreg:$0x1] =	wrdreg $0xFFFFFFFF  }
0xc1: {  	_ =	task.clear_ibuf [dreg:s6], $0x2FFFF;
	_ =	strace $0x9FFFFFFF  }
0xc2: {  	(tm) =	ssettm $0x7FFFFFFF  }
0xc3: {  	_ =	shalt  }
tec
execute0_lowered:
.L_overlay_start_1:
0x0: {  	(tag) =	ssettag $0x1  }
0x1: {  	s5 =	rddreg [dreg:$0x0]  }
0x2: {  	s2 =	rddreg [dreg:$0x1]  }
0x3: {  	s0 =	rddreg [dreg:$0x2];
	s3 =	simm.s32 $0x0;
	s1 =	stileid.u32  }
0x4: {  	s4 =	srdreg.scid;
	s14 =	simm.s32 $0x80;
	s15 =	simm.s32 $0x5000  }
0x5: {  	s16 =	simm.s32 $0x1;
	s17 =	simm.s32 $0x0;
	[smem:$0x7FF] =	sst s3  }
0x6: {  	s6 =	smul.u32 $0x14000, s1;
	s7 =	sand.u32 $0x1, s4;
	s28 =	sshll.u32 s1, $0x1  }
0x7: {  	s4 =	sadd.s32 $0x22000, s5;
	s29 =	smul.u32 $0x50000, s1;
	s31 =	sshll.u32 s1, $0x6  }
0x8: {  	_ =	strace $0x8000004A;
	s9 =	sor.u32 s7, s28;
	s10 =	smul.u32 $0x140000, s7  }
0x9: {  	s7 =	ssub.s32 $0x2, s7;
	s8 =	sshrl.u32 s6, $0x3;
	s9 =	smul.u32 $0x500, s9  }
0xa: {  	s11 =	sshrl.u32 s7, $0x1;
	s30 =	sshrl.u32 s29, $0x2;
	s8 =	sadd.s32 s8, s5  }
0xb: {  	s6 =	sadd.s32 s6, s10;
	s11 =	ssub.s32 s7, s11;
	s13 =	sadd.s32 s30, s2  }
0xc: {  	s9 =	sadd.s32 s9, s5;
	s6 =	sshrl.u32 s6, $0x3;
	s10 =	smax.u32 s11, $0x1  }
0xd: {  	s11 =	sshrl.u32 s13, $0x3;
	s13 =	simm.s32 $0x2800;
	s12 =	sadd.s32 s6, s5  }
0xe: {  	s5 =	sadd.s32 $0x4A000, s8;
	s6 =	sor.u32 $0x1C02, s31;
	s7 =	sadd.s32 $0x18000, s9  }
0xf: {  	s8 =	sadd.s32 $0x3600, s9;
	s9 =	sadd.s32 $0x72000, s12;
	s12 =	simm.s32 $0x2  }
.LBB2_1:
0x10: {  	[spmem:s11], [sflag:s6] =	dma.local [hbm:s5], $0x2800  }
0x11: {  	_ =	swait.ge [sflag:s12], $0x2800  }
0x12: {  	[sflag:s12] =	ssyncset.done $0x0  }
0x13: {  	[sflag:s12] =	ssyncadd.s32 $0xFFFFD800  }
0x14: {  	[tilespmem:s3], [sflag:$0x2] =	stream.linear.gather [hbm4b:s7+s3], $0x2780, $0x38;
	[tilespmem:$0x1D000] =	vst v63  }
0x15: {  	_ =	swait.ge [sflag:s12], $0x2780  }
0x16: {  	[sflag:s12] =	ssyncset.done $0x0  }
0x17: {  	[sflag:s12] =	ssyncadd.s32 $0xFFFFD880  }
0x18: {  	[tilespmem:s13], [sflag:$0x2] =	stream.linear.gather [hbm4b:s8+s3], $0x2780, $0x38;
	[tilespmem:$0x1D000] =	vst v63  }
0x19: {  	_ =	swait.ge [sflag:s12], $0x2780  }
0x1a: {  	[sflag:s12] =	ssyncset.done $0x0  }
0x1b: {  	[sflag:s12] =	ssyncadd.s32 $0xFFFFD880  }
0x1c: {  	s18 =	simm.s32 $0x0;
	[bflag:$0x0] =	sbarrier.arrive $0xFFFF  }
0x1d: {  	[tilespmem:s15], [sflag:$0x1] =	stream.indirect.gather [hbm4b:s4+s14], $0x80, s18, s14, $0xb8;
	[tilespmem:$0x1D000] =	vst v63  }
0x1e: {  	_ =	swait.ge [sflag:s16], $0x4000  }
0x1f: {  	[sflag:s16] =	ssyncset.done $0x0  }
0x20: {  	s31 =	simm.s32 $0x2800;
	[sflag:s16] =	ssyncadd.s32 $0xFFFFC000  }
0x21: {  	[spmem:s2] =	stream.indirect.scatter.add.f32 [tilespmem:s15], [sflag:$0x2], $0x80, s31, s14, $0xb8;
	[tilespmem:$0x1D000] =	vst v63  }
0x22: {  	_ =	swait.ge [sflag:s12], $0x4000  }
0x23: {  	s19 =	simm.s32 $0x400;
	s18 =	simm.s32 $0x200;
	[sflag:s12] =	ssyncset.done $0x0  }
.LBB2_2:
0x24: {  	s20 =	sshra.s32 s18, $0x2  }
0x25: {  	[sflag:s12] =	ssyncadd.s32 $0xFFFFC000;
	s18 =	smov.u32 s19;
	s21 =	sadd.s32 $0x200, s19  }
0x26: {  	[tilespmem:s15], [sflag:$0x1] =	stream.indirect.gather [hbm4b:s4+s14], $0x80, s20, s14, $0xb8;
	[tilespmem:$0x1D000] =	vst v63  }
0x27: {  	p0 =	sne.s32 s19, $0x9C00;
	_ =	swait.ge [sflag:s16], $0x4000  }
.Ltmp0:
0x28: {  	[sflag:s16] =	ssyncset.done $0x0;
	(pc) =	sbr.rel @p0 .LBB2_2-.Ltmp0, $4  }
0x29: {  	s19 =	sadd.s32 $0x2800, s20;
	[sflag:s16] =	ssyncadd.s32 $0xFFFFC000  }
0x2a: {  	[spmem:s2] =	stream.indirect.scatter.add.f32 [tilespmem:s15], [sflag:$0x2], $0x80, s19, s14, $0xb8;
	[tilespmem:$0x1D000] =	vst v63  }
0x2b: {  	_ =	swait.ge [sflag:s12], $0x4000  }
0x2c: {  	s19 =	smov.u32 s21;
	[sflag:s12] =	ssyncset.done $0x0  }
0x2d: {  	s18 =	sshra.s32 s18, $0x2;
	[sflag:s12] =	ssyncadd.s32 $0xFFFFC000  }
0x2e: {  	[tilespmem:s15], [sflag:$0x1] =	stream.indirect.gather [hbm4b:s4+s14], $0x80, s18, s14, $0xb8;
	[tilespmem:$0x1D000] =	vst v63  }
0x2f: {  	_ =	swait.ge [sflag:s16], $0x4000  }
0x30: {  	[sflag:s16] =	ssyncset.done $0x0  }
0x31: {  	s18 =	sadd.s32 $0x2800, s18;
	[sflag:s16] =	ssyncadd.s32 $0xFFFFC000  }
0x32: {  	[spmem:s2] =	stream.indirect.scatter.add.f32 [tilespmem:s15], [sflag:$0x2], $0x80, s18, s14, $0xb8;
	[tilespmem:$0x1D000] =	vst v63  }
0x33: {  	_ =	swait.ge [sflag:s12], $0x4000  }
0x34: {  	s17 =	sadd.s32 $0x1, s17;
	[sflag:s12] =	ssyncset.done $0x0  }
0x35: {  	p0 =	sne.s32 s17, s10;
	[sflag:s12] =	ssyncadd.s32 $0xFFFFC000  }
.Ltmp1:
0x36: {  	[bflag:$0x0] =	sbarrier.arrive $0xFFFF;
	(pc) =	sbr.rel @p0 .LBB2_1-.Ltmp1, $4  }
0x37: {  	[hbm:s9], [sflag:s6] =	dma.local [spmem:s11], $0x2800  }
0x38: {  	_ =	swait.ge [sflag:s12], $0x2800  }
0x39: {  	[sflag:s12] =	ssyncset.done $0x0  }
0x3a: {  	[sflag:s12] =	ssyncadd.s32 $0xFFFFD800  }
0x3b: {  	_ =	sfence.sel $0x180000  }
0x3c: {  	[bflag:$0x0] =	sbarrier.arrive $0xFFFF  }
0x3d: {  	p0 =	sne.s32 s1, $0x0;
	_ =	strace $0x9000004A  }
0x3e: {  	s0 =	sadd.s32 @!p0 $0x100000, s0;
	[bflag:$0x2] =	sbarrier.arrive $0xFFFF  }
0x3f: {  	[sflag:s0] =	ssyncadd.tile.s32 @!p0 $0x1;
	_ =	shalt  }
.Lfunc_end2:
_tile_overlayer_lowered:
.L_overlay_start_2:
0x40: {  	(tag) =	ssettag $0x2  }
0x41: {  	s0 =	rddreg [dreg:$0x0];
	s2 =	stileid.u32  }
0x42: {  	s1 =	rddreg [dreg:$0x1];
	p0 =	sne.s32 s2, $0x0  }
0x43: {  	s3 =	rddreg [dreg:$0x2];
	[bflag:$0x3] =	sbarrier.arrive $0xFFFF;
	s2 =	simm.s32 @!p0 $0x1C02  }
0x44: {  	[timem:s3], [sflag:s2] =	dma.local @!p0 [hbm:s0], s1  }
0x45: {  	s0 =	simm.s32 @!p0 $0x2  }
0x46: {  	_ =	swait.ge @!p0 [sflag:s0], s1  }
0x47: {  	s1 =	ssub.s32 @!p0 $0x0, s1;
	[sflag:s0] =	ssyncset.done @!p0 $0x0  }
0x48: {  	[sflag:s0] =	ssyncadd.s32 @!p0 s1  }
0x49: {  	[bflag:$0x3] =	sbarrier.arrive $0xFFFF  }
0x4a: {  	_ =	shalt  }

// kernel: kernel.18.cloned.1.call-start
scs
__scs_entry_jumppad:
0x0: {  	(pc) =	sbr.rel $0x88, $3  }
0x1: {  	(tag) =	ssettag $0x0;
	lr =	simm.s32 $0x1  }
0x2: {  	[smem:$0x3F99] =	sst lr;
	_ =	strace $0xD0000000  }
0x3: {  	_ = 	snop  }
0x4: {  	_ = 	snop  }
0x5: {  	_ = 	snop  }
0x6: {  	_ = 	snop  }
0x7: {  	_ = 	snop  }
__scs_overlays_trampoline_lowered:
0x8: {  	[smem:$0x3FA8] =	sst s0  }
0x9: {  	[smem:$0x3FA9] =	sst s1  }
0xa: {  	[smem:$0x3FAA] =	sst s2  }
0xb: {  	[smem:$0x3FAB] =	sst s3  }
0xc: {  	[smem:$0x3FAC] =	sst s4  }
0xd: {  	[smem:$0x3FAD] =	sst s5  }
0xe: {  	[smem:$0x3FAE] =	sst s6  }
0xf: {  	[smem:$0x3FAF] =	sst s7  }
0x10: {  	[smem:$0x3FB0] =	sst s8  }
0x11: {  	[smem:$0x3FB1] =	sst s9;
	s0 =	simm.s32 @!p0 $0x0  }
0x12: {  	s1 =	sld [smem:$0x3F97];
	s0 =	simm.s32 @p0 $0x1  }
0x13: {  	[smem:$0x3FB2] =	sst s0;
	s0 =	simm.s32 @!p1 $0x0  }
0x14: {  	s2 =	sld [smem:$0x3F96];
	s0 =	simm.s32 @p1 $0x1  }
0x15: {  	[smem:$0x3FB3] =	sst s0;
	s0 =	simm.s32 @!p2 $0x0  }
0x16: {  	s3 =	sld [smem:$0x3FDB];
	s0 =	simm.s32 @p2 $0x1  }
0x17: {  	s4 =	simm.s32 $0x1BF5;
	[smem:$0x3FB5] =	sst s0  }
0x18: {  	s0 =	sld [smem:$0x3F98];
	_ =	swait.ge [sflag:s4], $0x0  }
0x19: {  	s7 =	sld [smem:$0x3F99]  }
0x1a: {  	s8 =	sadd.s32 $0xFFFFE003, lr  }
0x1b: {  	s9 =	sadd.s32 $0xFFFFFEF7, lr;
	s5 =	simm.s32 $0xFFFFFFFF;
	p2 =	slt.u32 s8, $0xFFFFF086  }
0x1c: {  	p1 =	slt.u32 s9, $0xF7A;
	s5 =	simm.s32 @!p2 $0x0  }
0x1d: {  	s5 =	simm.s32 @p1 $0x1;
	p0 =	seq.s32 s7, s2  }
0x1e: {  	s7 =	smul.u32 @!p0 $0xF7A, s2;
	p2 =	seq.s32 @!p0 s5, $0x0  }
0x1f: {  	s9 =	smul.u32 $0xF7A, s1;
	s8 =	simm.s32 @!p0 $0x1BF5;
	p2 =	por !p2, p0  }
0x20: {  	[sflag:s8] =	ssyncset.s32 @!p0 $0xFFFFF086;
	s6 =	sadd.s32 @!p0 s3, s7;
	s7 =	simm.s32 @!p0 $0x108  }
0x21: {  	s3 =	sadd.s32 s3, s9;
	s6 =	sadd.s32 @!p0 $0x88, s6;
	s7 =	simm.s32 @p2 $0x1082  }
0x22: {  	[simem:s7], [sflag:s8] =	dma.local @!p0 [hbm:s6], $0xF7A  }
0x23: {  	s9 =	sor.u32 $0xD0000000, s2;
	s6 =	simm.s32 $0x108;
	_ =	swait.ge @!p0 [sflag:s8], $0x0  }
0x24: {  	s3 =	sadd.s32 $0x88, s3;
	s6 =	simm.s32 @!p1 $0x1082;
	[sflag:s4] =	ssyncset.s32 $0xFFFFF086  }
0x25: {  	[simem:s6], [sflag:s4] =	dma.local [hbm:s3], $0xF7A  }
0x26: {  	[smem:$0x3F99] =	sst s1;
	(tag) =	ssettag s2;
	_ =	strace s9  }
0x27: {  	s1 =	sld [smem:$0x3FA9]  }
0x28: {  	s2 =	sld [smem:$0x3FAA]  }
0x29: {  	s4 =	sld [smem:$0x3FAC]  }
0x2a: {  	p0 =	seq.s32 s5, $0x0;
	s5 =	sld [smem:$0x3FAD]  }
0x2b: {  	s6 =	sld [smem:$0x3FAE]  }
0x2c: {  	s7 =	sld [smem:$0x3FAF]  }
0x2d: {  	s3 =	simm.s32 $0x108;
	s8 =	sld [smem:$0x3FB0]  }
0x2e: {  	s3 =	simm.s32 @!p0 $0x1082;
	s9 =	sld [smem:$0x3FB1]  }
0x2f: {  	lr =	sadd.s32 s0, s3;
	s0 =	sld [smem:$0x3FA8]  }
0x30: {  	s3 =	sld [smem:$0x3FAB]  }
0x31: {  	[smem:$0x3FB4] =	sst s10  }
0x32: {  	s10 =	sld [smem:$0x3FB2];
	_ =	sdelay $0x3  }
0x33: {  	p0 =	seq.s32 s10, $0x1;
	s10 =	sld [smem:$0x3FB4];
	_ =	sdelay $0x3  }
0x34: {  	[smem:$0x3FB4] =	sst s10  }
0x35: {  	s10 =	sld [smem:$0x3FB3];
	_ =	sdelay $0x3  }
0x36: {  	p1 =	seq.s32 s10, $0x1;
	s10 =	sld [smem:$0x3FB4];
	_ =	sdelay $0x3  }
0x37: {  	[smem:$0x3FB4] =	sst s10  }
0x38: {  	s10 =	sld [smem:$0x3FB5]  }
0x39: {  	_ = 	snop;
	(pc) =	sbr.ind lr, $3  }
0x3a: {  	_ = 	snop  }
0x3b: {  	_ = 	snop  }
0x3c: {  	p2 =	seq.s32 s10, $0x1;
	s10 =	sld [smem:$0x3FB4]  }
0x3d: {  	_ =	shalt  }
0x3e: {  	_ =	shalt  }
0x3f: {  	_ =	shalt  }
0x40: {  	_ =	shalt  }
0x41: {  	_ =	shalt  }
0x42: {  	_ =	shalt  }
0x43: {  	_ =	shalt  }
0x44: {  	_ =	shalt  }
0x45: {  	_ =	shalt  }
0x46: {  	_ =	shalt  }
0x47: {  	_ =	shalt  }
0x48: {  	_ =	shalt  }
0x49: {  	_ =	shalt  }
0x4a: {  	_ =	shalt  }
0x4b: {  	_ =	shalt  }
0x4c: {  	_ =	shalt  }
0x4d: {  	_ =	shalt  }
0x4e: {  	_ =	shalt  }
0x4f: {  	_ =	shalt  }
0x50: {  	_ =	shalt  }
0x51: {  	_ =	shalt  }
0x52: {  	_ =	shalt  }
0x53: {  	_ =	shalt  }
0x54: {  	_ =	shalt  }
0x55: {  	_ =	shalt  }
0x56: {  	_ =	shalt  }
0x57: {  	_ =	shalt  }
0x58: {  	_ =	shalt  }
0x59: {  	_ =	shalt  }
0x5a: {  	_ =	shalt  }
0x5b: {  	_ =	shalt  }
0x5c: {  	_ =	shalt  }
0x5d: {  	_ =	shalt  }
0x5e: {  	_ =	shalt  }
0x5f: {  	_ =	shalt  }
0x60: {  	_ =	shalt  }
0x61: {  	_ =	shalt  }
0x62: {  	_ =	shalt  }
0x63: {  	_ =	shalt  }
0x64: {  	_ =	shalt  }
0x65: {  	_ =	shalt  }
0x66: {  	_ =	shalt  }
0x67: {  	_ =	shalt  }
0x68: {  	_ =	shalt  }
0x69: {  	_ =	shalt  }
0x6a: {  	_ =	shalt  }
0x6b: {  	_ =	shalt  }
0x6c: {  	_ =	shalt  }
0x6d: {  	_ =	shalt  }
0x6e: {  	_ =	shalt  }
0x6f: {  	_ =	shalt  }
0x70: {  	_ =	shalt  }
0x71: {  	_ =	shalt  }
0x72: {  	_ =	shalt  }
0x73: {  	_ =	shalt  }
0x74: {  	_ =	shalt  }
0x75: {  	_ =	shalt  }
0x76: {  	_ =	shalt  }
0x77: {  	_ =	shalt  }
0x78: {  	_ =	shalt  }
0x79: {  	_ =	shalt  }
0x7a: {  	_ =	shalt  }
0x7b: {  	_ =	shalt  }
0x7c: {  	_ =	shalt  }
0x7d: {  	_ =	shalt  }
0x7e: {  	_ =	shalt  }
0x7f: {  	_ =	shalt  }
0x80: {  	_ =	shalt  }
0x81: {  	_ =	shalt  }
0x82: {  	_ =	shalt  }
0x83: {  	_ =	shalt  }
0x84: {  	_ =	shalt  }
0x85: {  	_ =	shalt  }
0x86: {  	_ =	shalt  }
0x87: {  	_ =	shalt  }
.Lfunc_end0:
.L_simem_size_0:
called_computation.2_lowered:
.L_overlay_start_0:
0x88: {  	s2 =	sld [smem:$0x3FD9]  }
0x89: {  	s3 =	sld [smem:$0x3FFE];
	_ =	sdelay $0x1  }
0x8a: {  	s1 =	srdreg.scid  }
0x8b: {  	s0 =	sand.u32 $0x1, s1  }
0x8c: {  	s16 =	sshll.u32 s0, $0xA;
	s2 =	sadd.s32 s3, s2  }
0x8d: {  	s2 =	sadd.s32 s2, s16  }
0x8e: {  	[smem:$0x3FC0] =	sst s2  }
0x8f: {  	_ = 	snop  }
0x90: {  	(tm) =	ssettm $0x1  }
0x91: {  	s17 =	sld [smem:$0x3FFB];
	_ =	sdelay $0x3  }
0x92: {  	_ =	strace s17  }
0x93: {  	s2 =	sld [smem:$0x3FFC];
	_ =	sdelay $0x3  }
0x94: {  	_ =	strace s2  }
0x95: {  	s2 =	sld [smem:$0x3FFD];
	_ =	sdelay $0x3  }
0x96: {  	_ =	strace s2  }
0x97: {  	_ =	strace $0x8FFFFFFF  }
0x98: {  	s18 =	sld [smem:$0x3FDB];
	_ =	sdelay $0x1  }
0x99: {  	s19 =	simm.s32 $_scs_section_size  }
0x9a: {  	s4 =	simm.s32 $_size__tile_overlayer_lowered;
	s5 =	simm.s32 $_tile_overlayer_lowered  }
0x9b: {  	s22 =	simm.s32 $0x1BFF;
	s21 =	sshll.u32 s5, $0x1;
	s2 =	sadd.s32 s19, s18  }
0x9c: {  	s6 =	simm.s32 $0x0;
	s20 =	sshll.u32 s4, $0x1;
	s4 =	sadd.s32 s21, s2  }
0x9d: {  	[timem:s6], [sflag:s22] =	dma.local [hbm:s4], s20  }
0x9e: {  	_ =	swait.ge [sflag:s22], s20  }
0x9f: {  	s3 =	ssub.s32 $0x0, s20;
	[sflag:s22] =	ssyncset.done $0x0  }
0xa0: {  	[sflag:s22] =	ssyncadd.s32 s3;
	_ =	sdelay $0x1  }
0xa1: {  	s23 =	simm.s32 $0x1B8B  }
0xa2: {  	_ =	swait.ge [sflag:s23], $0x1  }
0xa3: {  	[sflag:s23] =	ssyncset.done $0x0  }
0xa4: {  	s25 =	simm.s32 $0x1B8E;
	s24 =	sld [smem:$0x3FFE];
	[sflag:s23] =	ssyncadd.s32 $0xFFFFFFFF  }
0xa5: {  	s26 =	simm.s32 $execute0_lowered;
	[smem:$0x3FD2] =	sst s25  }
0xa6: {  	s4 =	sshll.u32 s26, $0x1;
	_ =	strace $0x8000004C;
	[dreg:$0x1] =	wrdreg $0xFFFFFFFF  }
0xa7: {  	s28 =	simm.s32 $_size_execute0_lowered;
	s2 =	sadd.s32 s2, s4;
	[dreg:$0x0] =	wrdreg $0x0  }
0xa8: {  	s4 =	sshll.u32 s28, $0x1;
	[dreg:$0x2] =	wrdreg s2  }
0xa9: {  	[dreg:$0x3] =	wrdreg s4  }
0xaa: {  	[dreg:$0x4] =	wrdreg $0xC0  }
0xab: {  	_ =	task [dreg:s6], $0x5FFFF  }
0xac: {  	[dreg:$0x1] =	wrdreg $0xFFFFFFFF  }
0xad: {  	[dreg:$0x0] =	wrdreg $0x60  }
0xae: {  	[dreg:$0x2] =	wrdreg s24  }
0xaf: {  	[dreg:$0x3] =	wrdreg $0x90000  }
0xb0: {  	[dreg:$0x4] =	wrdreg $0x9  }
0xb1: {  	_ =	task.clear_ibuf [dreg:s6], $0x5FFFF;
	_ =	strace $0x9000004C  }
0xb2: {  	s29 =	simm.s32 $0x9;
	_ =	strace $0x8000004E  }
0xb3: {  	_ =	swait.ge [sflag:s29], $0x1  }
0xb4: {  	[sflag:s29] =	ssyncadd.s32 $0xFFFFFFFF  }
0xb5: {  	_ =	strace $0x9000004E  }
0xb6: {  	_ =	sfence  }
0xb7: {  	s30 =	sld [smem:$0x0];
	_ =	sdelay $0x2  }
0xb8: {  	s31 =	sshll.u32 s1, $0xD;
	s1 =	sshrl.u32 s1, $0x2  }
0xb9: {  	s3 =	sand.u32 $0x4000, s31;
	s1 =	sadd.s32 s1, s30  }
0xba: {  	s0 =	sor.u32 s3, s0;
	s1 =	sshll.u32 s1, $0x11  }
0xbb: {  	s0 =	sor.u32 s1, s0  }
0xbc: {  	s0 =	sadd.s32 $0x8F2B, s0  }
0xbd: {  	[sflag:s0] =	ssyncadd.remote.s32 $0x1  }
0xbe: {  	_ =	sfence.sel $0xFFFF  }
0xbf: {  	[dreg:$0x0] =	wrdreg $0xFFFFFFFF;
	(pc) =	sbr.abs _section_cstart, $3  }
0xc0: {  	[dreg:$0x1] =	wrdreg $0xFFFFFFFF  }
0xc1: {  	_ =	task.clear_ibuf [dreg:s6], $0x2FFFF;
	_ =	strace $0x9FFFFFFF  }
0xc2: {  	(tm) =	ssettm $0x7FFFFFFF  }
0xc3: {  	_ =	shalt  }
tec
execute0_lowered:
.L_overlay_start_1:
0x0: {  	(tag) =	ssettag $0x1  }
0x1: {  	s5 =	rddreg [dreg:$0x0]  }
0x2: {  	s2 =	rddreg [dreg:$0x1]  }
0x3: {  	s0 =	rddreg [dreg:$0x2];
	s3 =	simm.s32 $0x0;
	s1 =	stileid.u32  }
0x4: {  	s4 =	srdreg.scid;
	s14 =	simm.s32 $0x80;
	s15 =	simm.s32 $0x5000  }
0x5: {  	s16 =	simm.s32 $0x1;
	s17 =	simm.s32 $0x0;
	[smem:$0x7FF] =	sst s3  }
0x6: {  	s6 =	smul.u32 $0x14000, s1;
	s7 =	sand.u32 $0x1, s4;
	s28 =	sshll.u32 s1, $0x1  }
0x7: {  	s4 =	sadd.s32 $0x22000, s5;
	s29 =	smul.u32 $0x50000, s1;
	s31 =	sshll.u32 s1, $0x6  }
0x8: {  	_ =	strace $0x8000004D;
	s9 =	sor.u32 s7, s28;
	s10 =	smul.u32 $0x140000, s7  }
0x9: {  	s7 =	ssub.s32 $0x2, s7;
	s8 =	sshrl.u32 s6, $0x3;
	s9 =	smul.u32 $0x500, s9  }
0xa: {  	s11 =	sshrl.u32 s7, $0x1;
	s30 =	sshrl.u32 s29, $0x2;
	s8 =	sadd.s32 s8, s5  }
0xb: {  	s6 =	sadd.s32 s6, s10;
	s11 =	ssub.s32 s7, s11;
	s13 =	sadd.s32 s30, s2  }
0xc: {  	s9 =	sadd.s32 s9, s5;
	s6 =	sshrl.u32 s6, $0x3;
	s10 =	smax.u32 s11, $0x1  }
0xd: {  	s11 =	sshrl.u32 s13, $0x3;
	s13 =	simm.s32 $0x2800;
	s12 =	sadd.s32 s6, s5  }
0xe: {  	s5 =	sadd.s32 $0x4A000, s8;
	s6 =	sor.u32 $0x1C02, s31;
	s7 =	sadd.s32 $0x18000, s9  }
0xf: {  	s8 =	sadd.s32 $0x3600, s9;
	s9 =	sadd.s32 $0x9A000, s12;
	s12 =	simm.s32 $0x2  }
.LBB2_1:
0x10: {  	[spmem:s11], [sflag:s6] =	dma.local [hbm:s5], $0x2800  }
0x11: {  	_ =	swait.ge [sflag:s12], $0x2800  }
0x12: {  	[sflag:s12] =	ssyncset.done $0x0  }
0x13: {  	[sflag:s12] =	ssyncadd.s32 $0xFFFFD800  }
0x14: {  	[tilespmem:s3], [sflag:$0x2] =	stream.linear.gather [hbm4b:s7+s3], $0x2780, $0x38;
	[tilespmem:$0x1D000] =	vst v63  }
0x15: {  	_ =	swait.ge [sflag:s12], $0x2780  }
0x16: {  	[sflag:s12] =	ssyncset.done $0x0  }
0x17: {  	[sflag:s12] =	ssyncadd.s32 $0xFFFFD880  }
0x18: {  	[tilespmem:s13], [sflag:$0x2] =	stream.linear.gather [hbm4b:s8+s3], $0x2780, $0x38;
	[tilespmem:$0x1D000] =	vst v63  }
0x19: {  	_ =	swait.ge [sflag:s12], $0x2780  }
0x1a: {  	[sflag:s12] =	ssyncset.done $0x0  }
0x1b: {  	[sflag:s12] =	ssyncadd.s32 $0xFFFFD880  }
0x1c: {  	s18 =	simm.s32 $0x0;
	[bflag:$0x0] =	sbarrier.arrive $0xFFFF  }
0x1d: {  	[tilespmem:s15], [sflag:$0x1] =	stream.indirect.gather [hbm4b:s4+s14], $0x80, s18, s14, $0xb8;
	[tilespmem:$0x1D000] =	vst v63  }
0x1e: {  	_ =	swait.ge [sflag:s16], $0x4000  }
0x1f: {  	[sflag:s16] =	ssyncset.done $0x0  }
0x20: {  	s31 =	simm.s32 $0x2800;
	[sflag:s16] =	ssyncadd.s32 $0xFFFFC000  }
0x21: {  	[spmem:s2] =	stream.indirect.scatter.add.f32 [tilespmem:s15], [sflag:$0x2], $0x80, s31, s14, $0xb8;
	[tilespmem:$0x1D000] =	vst v63  }
0x22: {  	_ =	swait.ge [sflag:s12], $0x4000  }
0x23: {  	s19 =	simm.s32 $0x400;
	s18 =	simm.s32 $0x200;
	[sflag:s12] =	ssyncset.done $0x0  }
.LBB2_2:
0x24: {  	s20 =	sshra.s32 s18, $0x2  }
0x25: {  	[sflag:s12] =	ssyncadd.s32 $0xFFFFC000;
	s18 =	smov.u32 s19;
	s21 =	sadd.s32 $0x200, s19  }
0x26: {  	[tilespmem:s15], [sflag:$0x1] =	stream.indirect.gather [hbm4b:s4+s14], $0x80, s20, s14, $0xb8;
	[tilespmem:$0x1D000] =	vst v63  }
0x27: {  	p0 =	sne.s32 s19, $0x9C00;
	_ =	swait.ge [sflag:s16], $0x4000  }
.Ltmp0:
0x28: {  	[sflag:s16] =	ssyncset.done $0x0;
	(pc) =	sbr.rel @p0 .LBB2_2-.Ltmp0, $4  }
0x29: {  	s19 =	sadd.s32 $0x2800, s20;
	[sflag:s16] =	ssyncadd.s32 $0xFFFFC000  }
0x2a: {  	[spmem:s2] =	stream.indirect.scatter.add.f32 [tilespmem:s15], [sflag:$0x2], $0x80, s19, s14, $0xb8;
	[tilespmem:$0x1D000] =	vst v63  }
0x2b: {  	_ =	swait.ge [sflag:s12], $0x4000  }
0x2c: {  	s19 =	smov.u32 s21;
	[sflag:s12] =	ssyncset.done $0x0  }
0x2d: {  	s18 =	sshra.s32 s18, $0x2;
	[sflag:s12] =	ssyncadd.s32 $0xFFFFC000  }
0x2e: {  	[tilespmem:s15], [sflag:$0x1] =	stream.indirect.gather [hbm4b:s4+s14], $0x80, s18, s14, $0xb8;
	[tilespmem:$0x1D000] =	vst v63  }
0x2f: {  	_ =	swait.ge [sflag:s16], $0x4000  }
0x30: {  	[sflag:s16] =	ssyncset.done $0x0  }
0x31: {  	s18 =	sadd.s32 $0x2800, s18;
	[sflag:s16] =	ssyncadd.s32 $0xFFFFC000  }
0x32: {  	[spmem:s2] =	stream.indirect.scatter.add.f32 [tilespmem:s15], [sflag:$0x2], $0x80, s18, s14, $0xb8;
	[tilespmem:$0x1D000] =	vst v63  }
0x33: {  	_ =	swait.ge [sflag:s12], $0x4000  }
0x34: {  	s17 =	sadd.s32 $0x1, s17;
	[sflag:s12] =	ssyncset.done $0x0  }
0x35: {  	p0 =	sne.s32 s17, s10;
	[sflag:s12] =	ssyncadd.s32 $0xFFFFC000  }
.Ltmp1:
0x36: {  	[bflag:$0x0] =	sbarrier.arrive $0xFFFF;
	(pc) =	sbr.rel @p0 .LBB2_1-.Ltmp1, $4  }
0x37: {  	[hbm:s9], [sflag:s6] =	dma.local [spmem:s11], $0x2800  }
0x38: {  	_ =	swait.ge [sflag:s12], $0x2800  }
0x39: {  	[sflag:s12] =	ssyncset.done $0x0  }
0x3a: {  	[sflag:s12] =	ssyncadd.s32 $0xFFFFD800  }
0x3b: {  	_ =	sfence.sel $0x180000  }
0x3c: {  	[bflag:$0x0] =	sbarrier.arrive $0xFFFF  }
0x3d: {  	p0 =	sne.s32 s1, $0x0;
	_ =	strace $0x9000004D  }
0x3e: {  	s0 =	sadd.s32 @!p0 $0x100000, s0;
	[bflag:$0x2] =	sbarrier.arrive $0xFFFF  }
0x3f: {  	[sflag:s0] =	ssyncadd.tile.s32 @!p0 $0x1;
	_ =	shalt  }
.Lfunc_end2:
_tile_overlayer_lowered:
.L_overlay_start_2:
0x40: {  	(tag) =	ssettag $0x2  }
0x41: {  	s0 =	rddreg [dreg:$0x0];
	s2 =	stileid.u32  }
0x42: {  	s1 =	rddreg [dreg:$0x1];
	p0 =	sne.s32 s2, $0x0  }
0x43: {  	s3 =	rddreg [dreg:$0x2];
	[bflag:$0x3] =	sbarrier.arrive $0xFFFF;
	s2 =	simm.s32 @!p0 $0x1C02  }
0x44: {  	[timem:s3], [sflag:s2] =	dma.local @!p0 [hbm:s0], s1  }
0x45: {  	s0 =	simm.s32 @!p0 $0x2  }
0x46: {  	_ =	swait.ge @!p0 [sflag:s0], s1  }
0x47: {  	s1 =	ssub.s32 @!p0 $0x0, s1;
	[sflag:s0] =	ssyncset.done @!p0 $0x0  }
0x48: {  	[sflag:s0] =	ssyncadd.s32 @!p0 s1  }
0x49: {  	[bflag:$0x3] =	sbarrier.arrive $0xFFFF  }
0x4a: {  	_ =	shalt  }

// kernel: kernel.21.cloned.1.call-start
scs
__scs_entry_jumppad:
0x0: {  	(pc) =	sbr.rel $0x88, $3  }
0x1: {  	(tag) =	ssettag $0x0;
	lr =	simm.s32 $0x1  }
0x2: {  	[smem:$0x3F99] =	sst lr;
	_ =	strace $0xD0000000  }
0x3: {  	_ = 	snop  }
0x4: {  	_ = 	snop  }
0x5: {  	_ = 	snop  }
0x6: {  	_ = 	snop  }
0x7: {  	_ = 	snop  }
__scs_overlays_trampoline_lowered:
0x8: {  	[smem:$0x3FA8] =	sst s0  }
0x9: {  	[smem:$0x3FA9] =	sst s1  }
0xa: {  	[smem:$0x3FAA] =	sst s2  }
0xb: {  	[smem:$0x3FAB] =	sst s3  }
0xc: {  	[smem:$0x3FAC] =	sst s4  }
0xd: {  	[smem:$0x3FAD] =	sst s5  }
0xe: {  	[smem:$0x3FAE] =	sst s6  }
0xf: {  	[smem:$0x3FAF] =	sst s7  }
0x10: {  	[smem:$0x3FB0] =	sst s8  }
0x11: {  	[smem:$0x3FB1] =	sst s9;
	s0 =	simm.s32 @!p0 $0x0  }
0x12: {  	s1 =	sld [smem:$0x3F97];
	s0 =	simm.s32 @p0 $0x1  }
0x13: {  	[smem:$0x3FB2] =	sst s0;
	s0 =	simm.s32 @!p1 $0x0  }
0x14: {  	s2 =	sld [smem:$0x3F96];
	s0 =	simm.s32 @p1 $0x1  }
0x15: {  	[smem:$0x3FB3] =	sst s0;
	s0 =	simm.s32 @!p2 $0x0  }
0x16: {  	s3 =	sld [smem:$0x3FDB];
	s0 =	simm.s32 @p2 $0x1  }
0x17: {  	s4 =	simm.s32 $0x1BF5;
	[smem:$0x3FB5] =	sst s0  }
0x18: {  	s0 =	sld [smem:$0x3F98];
	_ =	swait.ge [sflag:s4], $0x0  }
0x19: {  	s7 =	sld [smem:$0x3F99]  }
0x1a: {  	s8 =	sadd.s32 $0xFFFFE003, lr  }
0x1b: {  	s9 =	sadd.s32 $0xFFFFFEF7, lr;
	s5 =	simm.s32 $0xFFFFFFFF;
	p2 =	slt.u32 s8, $0xFFFFF086  }
0x1c: {  	p1 =	slt.u32 s9, $0xF7A;
	s5 =	simm.s32 @!p2 $0x0  }
0x1d: {  	s5 =	simm.s32 @p1 $0x1;
	p0 =	seq.s32 s7, s2  }
0x1e: {  	s7 =	smul.u32 @!p0 $0xF7A, s2;
	p2 =	seq.s32 @!p0 s5, $0x0  }
0x1f: {  	s9 =	smul.u32 $0xF7A, s1;
	s8 =	simm.s32 @!p0 $0x1BF5;
	p2 =	por !p2, p0  }
0x20: {  	[sflag:s8] =	ssyncset.s32 @!p0 $0xFFFFF086;
	s6 =	sadd.s32 @!p0 s3, s7;
	s7 =	simm.s32 @!p0 $0x108  }
0x21: {  	s3 =	sadd.s32 s3, s9;
	s6 =	sadd.s32 @!p0 $0x88, s6;
	s7 =	simm.s32 @p2 $0x1082  }
0x22: {  	[simem:s7], [sflag:s8] =	dma.local @!p0 [hbm:s6], $0xF7A  }
0x23: {  	s9 =	sor.u32 $0xD0000000, s2;
	s6 =	simm.s32 $0x108;
	_ =	swait.ge @!p0 [sflag:s8], $0x0  }
0x24: {  	s3 =	sadd.s32 $0x88, s3;
	s6 =	simm.s32 @!p1 $0x1082;
	[sflag:s4] =	ssyncset.s32 $0xFFFFF086  }
0x25: {  	[simem:s6], [sflag:s4] =	dma.local [hbm:s3], $0xF7A  }
0x26: {  	[smem:$0x3F99] =	sst s1;
	(tag) =	ssettag s2;
	_ =	strace s9  }
0x27: {  	s1 =	sld [smem:$0x3FA9]  }
0x28: {  	s2 =	sld [smem:$0x3FAA]  }
0x29: {  	s4 =	sld [smem:$0x3FAC]  }
0x2a: {  	p0 =	seq.s32 s5, $0x0;
	s5 =	sld [smem:$0x3FAD]  }
0x2b: {  	s6 =	sld [smem:$0x3FAE]  }
0x2c: {  	s7 =	sld [smem:$0x3FAF]  }
0x2d: {  	s3 =	simm.s32 $0x108;
	s8 =	sld [smem:$0x3FB0]  }
0x2e: {  	s3 =	simm.s32 @!p0 $0x1082;
	s9 =	sld [smem:$0x3FB1]  }
0x2f: {  	lr =	sadd.s32 s0, s3;
	s0 =	sld [smem:$0x3FA8]  }
0x30: {  	s3 =	sld [smem:$0x3FAB]  }
0x31: {  	[smem:$0x3FB4] =	sst s10  }
0x32: {  	s10 =	sld [smem:$0x3FB2];
	_ =	sdelay $0x3  }
0x33: {  	p0 =	seq.s32 s10, $0x1;
	s10 =	sld [smem:$0x3FB4];
	_ =	sdelay $0x3  }
0x34: {  	[smem:$0x3FB4] =	sst s10  }
0x35: {  	s10 =	sld [smem:$0x3FB3];
	_ =	sdelay $0x3  }
0x36: {  	p1 =	seq.s32 s10, $0x1;
	s10 =	sld [smem:$0x3FB4];
	_ =	sdelay $0x3  }
0x37: {  	[smem:$0x3FB4] =	sst s10  }
0x38: {  	s10 =	sld [smem:$0x3FB5]  }
0x39: {  	_ = 	snop;
	(pc) =	sbr.ind lr, $3  }
0x3a: {  	_ = 	snop  }
0x3b: {  	_ = 	snop  }
0x3c: {  	p2 =	seq.s32 s10, $0x1;
	s10 =	sld [smem:$0x3FB4]  }
0x3d: {  	_ =	shalt  }
0x3e: {  	_ =	shalt  }
0x3f: {  	_ =	shalt  }
0x40: {  	_ =	shalt  }
0x41: {  	_ =	shalt  }
0x42: {  	_ =	shalt  }
0x43: {  	_ =	shalt  }
0x44: {  	_ =	shalt  }
0x45: {  	_ =	shalt  }
0x46: {  	_ =	shalt  }
0x47: {  	_ =	shalt  }
0x48: {  	_ =	shalt  }
0x49: {  	_ =	shalt  }
0x4a: {  	_ =	shalt  }
0x4b: {  	_ =	shalt  }
0x4c: {  	_ =	shalt  }
0x4d: {  	_ =	shalt  }
0x4e: {  	_ =	shalt  }
0x4f: {  	_ =	shalt  }
0x50: {  	_ =	shalt  }
0x51: {  	_ =	shalt  }
0x52: {  	_ =	shalt  }
0x53: {  	_ =	shalt  }
0x54: {  	_ =	shalt  }
0x55: {  	_ =	shalt  }
0x56: {  	_ =	shalt  }
0x57: {  	_ =	shalt  }
0x58: {  	_ =	shalt  }
0x59: {  	_ =	shalt  }
0x5a: {  	_ =	shalt  }
0x5b: {  	_ =	shalt  }
0x5c: {  	_ =	shalt  }
0x5d: {  	_ =	shalt  }
0x5e: {  	_ =	shalt  }
0x5f: {  	_ =	shalt  }
0x60: {  	_ =	shalt  }
0x61: {  	_ =	shalt  }
0x62: {  	_ =	shalt  }
0x63: {  	_ =	shalt  }
0x64: {  	_ =	shalt  }
0x65: {  	_ =	shalt  }
0x66: {  	_ =	shalt  }
0x67: {  	_ =	shalt  }
0x68: {  	_ =	shalt  }
0x69: {  	_ =	shalt  }
0x6a: {  	_ =	shalt  }
0x6b: {  	_ =	shalt  }
0x6c: {  	_ =	shalt  }
0x6d: {  	_ =	shalt  }
0x6e: {  	_ =	shalt  }
0x6f: {  	_ =	shalt  }
0x70: {  	_ =	shalt  }
0x71: {  	_ =	shalt  }
0x72: {  	_ =	shalt  }
0x73: {  	_ =	shalt  }
0x74: {  	_ =	shalt  }
0x75: {  	_ =	shalt  }
0x76: {  	_ =	shalt  }
0x77: {  	_ =	shalt  }
0x78: {  	_ =	shalt  }
0x79: {  	_ =	shalt  }
0x7a: {  	_ =	shalt  }
0x7b: {  	_ =	shalt  }
0x7c: {  	_ =	shalt  }
0x7d: {  	_ =	shalt  }
0x7e: {  	_ =	shalt  }
0x7f: {  	_ =	shalt  }
0x80: {  	_ =	shalt  }
0x81: {  	_ =	shalt  }
0x82: {  	_ =	shalt  }
0x83: {  	_ =	shalt  }
0x84: {  	_ =	shalt  }
0x85: {  	_ =	shalt  }
0x86: {  	_ =	shalt  }
0x87: {  	_ =	shalt  }
.Lfunc_end0:
.L_simem_size_0:
called_computation.3_lowered:
.L_overlay_start_0:
0x88: {  	s2 =	sld [smem:$0x3FD9]  }
0x89: {  	s3 =	sld [smem:$0x3FFE];
	_ =	sdelay $0x1  }
0x8a: {  	s1 =	srdreg.scid  }
0x8b: {  	s0 =	sand.u32 $0x1, s1  }
0x8c: {  	s16 =	sshll.u32 s0, $0xA;
	s2 =	sadd.s32 s3, s2  }
0x8d: {  	s2 =	sadd.s32 s2, s16  }
0x8e: {  	[smem:$0x3FC0] =	sst s2  }
0x8f: {  	_ = 	snop  }
0x90: {  	(tm) =	ssettm $0x1  }
0x91: {  	s17 =	sld [smem:$0x3FFB];
	_ =	sdelay $0x3  }
0x92: {  	_ =	strace s17  }
0x93: {  	s2 =	sld [smem:$0x3FFC];
	_ =	sdelay $0x3  }
0x94: {  	_ =	strace s2  }
0x95: {  	s2 =	sld [smem:$0x3FFD];
	_ =	sdelay $0x3  }
0x96: {  	_ =	strace s2  }
0x97: {  	_ =	strace $0x8FFFFFFF  }
0x98: {  	s18 =	sld [smem:$0x3FDB];
	_ =	sdelay $0x1  }
0x99: {  	s19 =	simm.s32 $_scs_section_size  }
0x9a: {  	s4 =	simm.s32 $_size__tile_overlayer_lowered;
	s5 =	simm.s32 $_tile_overlayer_lowered  }
0x9b: {  	s22 =	simm.s32 $0x1BFF;
	s21 =	sshll.u32 s5, $0x1;
	s2 =	sadd.s32 s19, s18  }
0x9c: {  	s6 =	simm.s32 $0x0;
	s20 =	sshll.u32 s4, $0x1;
	s4 =	sadd.s32 s21, s2  }
0x9d: {  	[timem:s6], [sflag:s22] =	dma.local [hbm:s4], s20  }
0x9e: {  	_ =	swait.ge [sflag:s22], s20  }
0x9f: {  	s3 =	ssub.s32 $0x0, s20;
	[sflag:s22] =	ssyncset.done $0x0  }
0xa0: {  	[sflag:s22] =	ssyncadd.s32 s3;
	_ =	sdelay $0x1  }
0xa1: {  	s23 =	simm.s32 $0x1B8B  }
0xa2: {  	_ =	swait.ge [sflag:s23], $0x1  }
0xa3: {  	[sflag:s23] =	ssyncset.done $0x0  }
0xa4: {  	s25 =	simm.s32 $0x1B8E;
	s24 =	sld [smem:$0x3FFE];
	[sflag:s23] =	ssyncadd.s32 $0xFFFFFFFF  }
0xa5: {  	s26 =	simm.s32 $execute0_lowered;
	[smem:$0x3FD2] =	sst s25  }
0xa6: {  	s4 =	sshll.u32 s26, $0x1;
	_ =	strace $0x8000004F;
	[dreg:$0x1] =	wrdreg $0xFFFFFFFF  }
0xa7: {  	s28 =	simm.s32 $_size_execute0_lowered;
	s2 =	sadd.s32 s2, s4;
	[dreg:$0x0] =	wrdreg $0x0  }
0xa8: {  	s4 =	sshll.u32 s28, $0x1;
	[dreg:$0x2] =	wrdreg s2  }
0xa9: {  	[dreg:$0x3] =	wrdreg s4  }
0xaa: {  	[dreg:$0x4] =	wrdreg $0xC0  }
0xab: {  	_ =	task [dreg:s6], $0x5FFFF  }
0xac: {  	[dreg:$0x1] =	wrdreg $0xFFFFFFFF  }
0xad: {  	[dreg:$0x0] =	wrdreg $0x60  }
0xae: {  	[dreg:$0x2] =	wrdreg s24  }
0xaf: {  	[dreg:$0x3] =	wrdreg $0x90000  }
0xb0: {  	[dreg:$0x4] =	wrdreg $0x9  }
0xb1: {  	_ =	task.clear_ibuf [dreg:s6], $0x5FFFF;
	_ =	strace $0x9000004F  }
0xb2: {  	s29 =	simm.s32 $0x9;
	_ =	strace $0x80000051  }
0xb3: {  	_ =	swait.ge [sflag:s29], $0x1  }
0xb4: {  	[sflag:s29] =	ssyncadd.s32 $0xFFFFFFFF  }
0xb5: {  	_ =	strace $0x90000051  }
0xb6: {  	_ =	sfence  }
0xb7: {  	s30 =	sld [smem:$0x0];
	_ =	sdelay $0x2  }
0xb8: {  	s31 =	sshll.u32 s1, $0xD;
	s1 =	sshrl.u32 s1, $0x2  }
0xb9: {  	s3 =	sand.u32 $0x4000, s31;
	s1 =	sadd.s32 s1, s30  }
0xba: {  	s0 =	sor.u32 s3, s0;
	s1 =	sshll.u32 s1, $0x11  }
0xbb: {  	s0 =	sor.u32 s1, s0  }
0xbc: {  	s0 =	sadd.s32 $0x8F2B, s0  }
0xbd: {  	[sflag:s0] =	ssyncadd.remote.s32 $0x1  }
0xbe: {  	_ =	sfence.sel $0xFFFF  }
0xbf: {  	[dreg:$0x0] =	wrdreg $0xFFFFFFFF;
	(pc) =	sbr.abs _section_cstart, $3  }
0xc0: {  	[dreg:$0x1] =	wrdreg $0xFFFFFFFF  }
0xc1: {  	_ =	task.clear_ibuf [dreg:s6], $0x2FFFF;
	_ =	strace $0x9FFFFFFF  }
0xc2: {  	(tm) =	ssettm $0x7FFFFFFF  }
0xc3: {  	_ =	shalt  }
tec
execute0_lowered:
.L_overlay_start_1:
0x0: {  	(tag) =	ssettag $0x1  }
0x1: {  	s5 =	rddreg [dreg:$0x0]  }
0x2: {  	s2 =	rddreg [dreg:$0x1]  }
0x3: {  	s0 =	rddreg [dreg:$0x2];
	s3 =	simm.s32 $0x0;
	s1 =	stileid.u32  }
0x4: {  	s4 =	srdreg.scid;
	s14 =	simm.s32 $0x80;
	s15 =	simm.s32 $0x5000  }
0x5: {  	s16 =	simm.s32 $0x1;
	s17 =	simm.s32 $0x0;
	[smem:$0x7FF] =	sst s3  }
0x6: {  	s6 =	smul.u32 $0x14000, s1;
	s7 =	sand.u32 $0x1, s4;
	s28 =	sshll.u32 s1, $0x1  }
0x7: {  	s4 =	sadd.s32 $0x22000, s5;
	s29 =	smul.u32 $0x50000, s1;
	s31 =	sshll.u32 s1, $0x6  }
0x8: {  	_ =	strace $0x80000050;
	s9 =	sor.u32 s7, s28;
	s10 =	smul.u32 $0x140000, s7  }
0x9: {  	s7 =	ssub.s32 $0x2, s7;
	s8 =	sshrl.u32 s6, $0x3;
	s9 =	smul.u32 $0x500, s9  }
0xa: {  	s11 =	sshrl.u32 s7, $0x1;
	s30 =	sshrl.u32 s29, $0x2;
	s8 =	sadd.s32 s8, s5  }
0xb: {  	s6 =	sadd.s32 s6, s10;
	s11 =	ssub.s32 s7, s11;
	s13 =	sadd.s32 s30, s2  }
0xc: {  	s9 =	sadd.s32 s9, s5;
	s6 =	sshrl.u32 s6, $0x3;
	s10 =	smax.u32 s11, $0x1  }
0xd: {  	s11 =	sshrl.u32 s13, $0x3;
	s13 =	simm.s32 $0x2800;
	s12 =	sadd.s32 s6, s5  }
0xe: {  	s5 =	sadd.s32 $0x4A000, s8;
	s6 =	sor.u32 $0x1C02, s31;
	s7 =	sadd.s32 $0x18000, s9  }
0xf: {  	s8 =	sadd.s32 $0x3600, s9;
	s9 =	sadd.s32 $0x72000, s12;
	s12 =	simm.s32 $0x2  }
.LBB2_1:
0x10: {  	[spmem:s11], [sflag:s6] =	dma.local [hbm:s5], $0x2800  }
0x11: {  	_ =	swait.ge [sflag:s12], $0x2800  }
0x12: {  	[sflag:s12] =	ssyncset.done $0x0  }
0x13: {  	[sflag:s12] =	ssyncadd.s32 $0xFFFFD800  }
0x14: {  	[tilespmem:s3], [sflag:$0x2] =	stream.linear.gather [hbm4b:s7+s3], $0x2780, $0x38;
	[tilespmem:$0x1D000] =	vst v63  }
0x15: {  	_ =	swait.ge [sflag:s12], $0x2780  }
0x16: {  	[sflag:s12] =	ssyncset.done $0x0  }
0x17: {  	[sflag:s12] =	ssyncadd.s32 $0xFFFFD880  }
0x18: {  	[tilespmem:s13], [sflag:$0x2] =	stream.linear.gather [hbm4b:s8+s3], $0x2780, $0x38;
	[tilespmem:$0x1D000] =	vst v63  }
0x19: {  	_ =	swait.ge [sflag:s12], $0x2780  }
0x1a: {  	[sflag:s12] =	ssyncset.done $0x0  }
0x1b: {  	[sflag:s12] =	ssyncadd.s32 $0xFFFFD880  }
0x1c: {  	s18 =	simm.s32 $0x0;
	[bflag:$0x0] =	sbarrier.arrive $0xFFFF  }
0x1d: {  	[tilespmem:s15], [sflag:$0x1] =	stream.indirect.gather [hbm4b:s4+s14], $0x80, s18, s14, $0xb8;
	[tilespmem:$0x1D000] =	vst v63  }
0x1e: {  	_ =	swait.ge [sflag:s16], $0x4000  }
0x1f: {  	[sflag:s16] =	ssyncset.done $0x0  }
0x20: {  	s31 =	simm.s32 $0x2800;
	[sflag:s16] =	ssyncadd.s32 $0xFFFFC000  }
0x21: {  	[spmem:s2] =	stream.indirect.scatter.add.f32 [tilespmem:s15], [sflag:$0x2], $0x80, s31, s14, $0xb8;
	[tilespmem:$0x1D000] =	vst v63  }
0x22: {  	_ =	swait.ge [sflag:s12], $0x4000  }
0x23: {  	s19 =	simm.s32 $0x400;
	s18 =	simm.s32 $0x200;
	[sflag:s12] =	ssyncset.done $0x0  }
.LBB2_2:
0x24: {  	s20 =	sshra.s32 s18, $0x2  }
0x25: {  	[sflag:s12] =	ssyncadd.s32 $0xFFFFC000;
	s18 =	smov.u32 s19;
	s21 =	sadd.s32 $0x200, s19  }
0x26: {  	[tilespmem:s15], [sflag:$0x1] =	stream.indirect.gather [hbm4b:s4+s14], $0x80, s20, s14, $0xb8;
	[tilespmem:$0x1D000] =	vst v63  }
0x27: {  	p0 =	sne.s32 s19, $0x9C00;
	_ =	swait.ge [sflag:s16], $0x4000  }
.Ltmp0:
0x28: {  	[sflag:s16] =	ssyncset.done $0x0;
	(pc) =	sbr.rel @p0 .LBB2_2-.Ltmp0, $4  }
0x29: {  	s19 =	sadd.s32 $0x2800, s20;
	[sflag:s16] =	ssyncadd.s32 $0xFFFFC000  }
0x2a: {  	[spmem:s2] =	stream.indirect.scatter.add.f32 [tilespmem:s15], [sflag:$0x2], $0x80, s19, s14, $0xb8;
	[tilespmem:$0x1D000] =	vst v63  }
0x2b: {  	_ =	swait.ge [sflag:s12], $0x4000  }
0x2c: {  	s19 =	smov.u32 s21;
	[sflag:s12] =	ssyncset.done $0x0  }
0x2d: {  	s18 =	sshra.s32 s18, $0x2;
	[sflag:s12] =	ssyncadd.s32 $0xFFFFC000  }
0x2e: {  	[tilespmem:s15], [sflag:$0x1] =	stream.indirect.gather [hbm4b:s4+s14], $0x80, s18, s14, $0xb8;
	[tilespmem:$0x1D000] =	vst v63  }
0x2f: {  	_ =	swait.ge [sflag:s16], $0x4000  }
0x30: {  	[sflag:s16] =	ssyncset.done $0x0  }
0x31: {  	s18 =	sadd.s32 $0x2800, s18;
	[sflag:s16] =	ssyncadd.s32 $0xFFFFC000  }
0x32: {  	[spmem:s2] =	stream.indirect.scatter.add.f32 [tilespmem:s15], [sflag:$0x2], $0x80, s18, s14, $0xb8;
	[tilespmem:$0x1D000] =	vst v63  }
0x33: {  	_ =	swait.ge [sflag:s12], $0x4000  }
0x34: {  	s17 =	sadd.s32 $0x1, s17;
	[sflag:s12] =	ssyncset.done $0x0  }
0x35: {  	p0 =	sne.s32 s17, s10;
	[sflag:s12] =	ssyncadd.s32 $0xFFFFC000  }
.Ltmp1:
0x36: {  	[bflag:$0x0] =	sbarrier.arrive $0xFFFF;
	(pc) =	sbr.rel @p0 .LBB2_1-.Ltmp1, $4  }
0x37: {  	[hbm:s9], [sflag:s6] =	dma.local [spmem:s11], $0x2800  }
0x38: {  	_ =	swait.ge [sflag:s12], $0x2800  }
0x39: {  	[sflag:s12] =	ssyncset.done $0x0  }
0x3a: {  	[sflag:s12] =	ssyncadd.s32 $0xFFFFD800  }
0x3b: {  	_ =	sfence.sel $0x180000  }
0x3c: {  	[bflag:$0x0] =	sbarrier.arrive $0xFFFF  }
0x3d: {  	p0 =	sne.s32 s1, $0x0;
	_ =	strace $0x90000050  }
0x3e: {  	s0 =	sadd.s32 @!p0 $0x100000, s0;
	[bflag:$0x2] =	sbarrier.arrive $0xFFFF  }
0x3f: {  	[sflag:s0] =	ssyncadd.tile.s32 @!p0 $0x1;
	_ =	shalt  }
.Lfunc_end2:
_tile_overlayer_lowered:
.L_overlay_start_2:
0x40: {  	(tag) =	ssettag $0x2  }
0x41: {  	s0 =	rddreg [dreg:$0x0];
	s2 =	stileid.u32  }
0x42: {  	s1 =	rddreg [dreg:$0x1];
	p0 =	sne.s32 s2, $0x0  }
0x43: {  	s3 =	rddreg [dreg:$0x2];
	[bflag:$0x3] =	sbarrier.arrive $0xFFFF;
	s2 =	simm.s32 @!p0 $0x1C02  }
0x44: {  	[timem:s3], [sflag:s2] =	dma.local @!p0 [hbm:s0], s1  }
0x45: {  	s0 =	simm.s32 @!p0 $0x2  }
0x46: {  	_ =	swait.ge @!p0 [sflag:s0], s1  }
0x47: {  	s1 =	ssub.s32 @!p0 $0x0, s1;
	[sflag:s0] =	ssyncset.done @!p0 $0x0  }
0x48: {  	[sflag:s0] =	ssyncadd.s32 @!p0 s1  }
0x49: {  	[bflag:$0x3] =	sbarrier.arrive $0xFFFF  }
0x4a: {  	_ =	shalt  }

// kernel: kernel.24.cloned.1.call-start
scs
__scs_entry_jumppad:
0x0: {  	(pc) =	sbr.rel $0x88, $3  }
0x1: {  	(tag) =	ssettag $0x0;
	lr =	simm.s32 $0x1  }
0x2: {  	[smem:$0x3F99] =	sst lr;
	_ =	strace $0xD0000000  }
0x3: {  	_ = 	snop  }
0x4: {  	_ = 	snop  }
0x5: {  	_ = 	snop  }
0x6: {  	_ = 	snop  }
0x7: {  	_ = 	snop  }
__scs_overlays_trampoline_lowered:
0x8: {  	[smem:$0x3FA8] =	sst s0  }
0x9: {  	[smem:$0x3FA9] =	sst s1  }
0xa: {  	[smem:$0x3FAA] =	sst s2  }
0xb: {  	[smem:$0x3FAB] =	sst s3  }
0xc: {  	[smem:$0x3FAC] =	sst s4  }
0xd: {  	[smem:$0x3FAD] =	sst s5  }
0xe: {  	[smem:$0x3FAE] =	sst s6  }
0xf: {  	[smem:$0x3FAF] =	sst s7  }
0x10: {  	[smem:$0x3FB0] =	sst s8  }
0x11: {  	[smem:$0x3FB1] =	sst s9;
	s0 =	simm.s32 @!p0 $0x0  }
0x12: {  	s1 =	sld [smem:$0x3F97];
	s0 =	simm.s32 @p0 $0x1  }
0x13: {  	[smem:$0x3FB2] =	sst s0;
	s0 =	simm.s32 @!p1 $0x0  }
0x14: {  	s2 =	sld [smem:$0x3F96];
	s0 =	simm.s32 @p1 $0x1  }
0x15: {  	[smem:$0x3FB3] =	sst s0;
	s0 =	simm.s32 @!p2 $0x0  }
0x16: {  	s3 =	sld [smem:$0x3FDB];
	s0 =	simm.s32 @p2 $0x1  }
0x17: {  	s4 =	simm.s32 $0x1BF5;
	[smem:$0x3FB5] =	sst s0  }
0x18: {  	s0 =	sld [smem:$0x3F98];
	_ =	swait.ge [sflag:s4], $0x0  }
0x19: {  	s7 =	sld [smem:$0x3F99]  }
0x1a: {  	s8 =	sadd.s32 $0xFFFFE003, lr  }
0x1b: {  	s9 =	sadd.s32 $0xFFFFFEF7, lr;
	s5 =	simm.s32 $0xFFFFFFFF;
	p2 =	slt.u32 s8, $0xFFFFF086  }
0x1c: {  	p1 =	slt.u32 s9, $0xF7A;
	s5 =	simm.s32 @!p2 $0x0  }
0x1d: {  	s5 =	simm.s32 @p1 $0x1;
	p0 =	seq.s32 s7, s2  }
0x1e: {  	s7 =	smul.u32 @!p0 $0xF7A, s2;
	p2 =	seq.s32 @!p0 s5, $0x0  }
0x1f: {  	s9 =	smul.u32 $0xF7A, s1;
	s8 =	simm.s32 @!p0 $0x1BF5;
	p2 =	por !p2, p0  }
0x20: {  	[sflag:s8] =	ssyncset.s32 @!p0 $0xFFFFF086;
	s6 =	sadd.s32 @!p0 s3, s7;
	s7 =	simm.s32 @!p0 $0x108  }
0x21: {  	s3 =	sadd.s32 s3, s9;
	s6 =	sadd.s32 @!p0 $0x88, s6;
	s7 =	simm.s32 @p2 $0x1082  }
0x22: {  	[simem:s7], [sflag:s8] =	dma.local @!p0 [hbm:s6], $0xF7A  }
0x23: {  	s9 =	sor.u32 $0xD0000000, s2;
	s6 =	simm.s32 $0x108;
	_ =	swait.ge @!p0 [sflag:s8], $0x0  }
0x24: {  	s3 =	sadd.s32 $0x88, s3;
	s6 =	simm.s32 @!p1 $0x1082;
	[sflag:s4] =	ssyncset.s32 $0xFFFFF086  }
0x25: {  	[simem:s6], [sflag:s4] =	dma.local [hbm:s3], $0xF7A  }
0x26: {  	[smem:$0x3F99] =	sst s1;
	(tag) =	ssettag s2;
	_ =	strace s9  }
0x27: {  	s1 =	sld [smem:$0x3FA9]  }
0x28: {  	s2 =	sld [smem:$0x3FAA]  }
0x29: {  	s4 =	sld [smem:$0x3FAC]  }
0x2a: {  	p0 =	seq.s32 s5, $0x0;
	s5 =	sld [smem:$0x3FAD]  }
0x2b: {  	s6 =	sld [smem:$0x3FAE]  }
0x2c: {  	s7 =	sld [smem:$0x3FAF]  }
0x2d: {  	s3 =	simm.s32 $0x108;
	s8 =	sld [smem:$0x3FB0]  }
0x2e: {  	s3 =	simm.s32 @!p0 $0x1082;
	s9 =	sld [smem:$0x3FB1]  }
0x2f: {  	lr =	sadd.s32 s0, s3;
	s0 =	sld [smem:$0x3FA8]  }
0x30: {  	s3 =	sld [smem:$0x3FAB]  }
0x31: {  	[smem:$0x3FB4] =	sst s10  }
0x32: {  	s10 =	sld [smem:$0x3FB2];
	_ =	sdelay $0x3  }
0x33: {  	p0 =	seq.s32 s10, $0x1;
	s10 =	sld [smem:$0x3FB4];
	_ =	sdelay $0x3  }
0x34: {  	[smem:$0x3FB4] =	sst s10  }
0x35: {  	s10 =	sld [smem:$0x3FB3];
	_ =	sdelay $0x3  }
0x36: {  	p1 =	seq.s32 s10, $0x1;
	s10 =	sld [smem:$0x3FB4];
	_ =	sdelay $0x3  }
0x37: {  	[smem:$0x3FB4] =	sst s10  }
0x38: {  	s10 =	sld [smem:$0x3FB5]  }
0x39: {  	_ = 	snop;
	(pc) =	sbr.ind lr, $3  }
0x3a: {  	_ = 	snop  }
0x3b: {  	_ = 	snop  }
0x3c: {  	p2 =	seq.s32 s10, $0x1;
	s10 =	sld [smem:$0x3FB4]  }
0x3d: {  	_ =	shalt  }
0x3e: {  	_ =	shalt  }
0x3f: {  	_ =	shalt  }
0x40: {  	_ =	shalt  }
0x41: {  	_ =	shalt  }
0x42: {  	_ =	shalt  }
0x43: {  	_ =	shalt  }
0x44: {  	_ =	shalt  }
0x45: {  	_ =	shalt  }
0x46: {  	_ =	shalt  }
0x47: {  	_ =	shalt  }
0x48: {  	_ =	shalt  }
0x49: {  	_ =	shalt  }
0x4a: {  	_ =	shalt  }
0x4b: {  	_ =	shalt  }
0x4c: {  	_ =	shalt  }
0x4d: {  	_ =	shalt  }
0x4e: {  	_ =	shalt  }
0x4f: {  	_ =	shalt  }
0x50: {  	_ =	shalt  }
0x51: {  	_ =	shalt  }
0x52: {  	_ =	shalt  }
0x53: {  	_ =	shalt  }
0x54: {  	_ =	shalt  }
0x55: {  	_ =	shalt  }
0x56: {  	_ =	shalt  }
0x57: {  	_ =	shalt  }
0x58: {  	_ =	shalt  }
0x59: {  	_ =	shalt  }
0x5a: {  	_ =	shalt  }
0x5b: {  	_ =	shalt  }
0x5c: {  	_ =	shalt  }
0x5d: {  	_ =	shalt  }
0x5e: {  	_ =	shalt  }
0x5f: {  	_ =	shalt  }
0x60: {  	_ =	shalt  }
0x61: {  	_ =	shalt  }
0x62: {  	_ =	shalt  }
0x63: {  	_ =	shalt  }
0x64: {  	_ =	shalt  }
0x65: {  	_ =	shalt  }
0x66: {  	_ =	shalt  }
0x67: {  	_ =	shalt  }
0x68: {  	_ =	shalt  }
0x69: {  	_ =	shalt  }
0x6a: {  	_ =	shalt  }
0x6b: {  	_ =	shalt  }
0x6c: {  	_ =	shalt  }
0x6d: {  	_ =	shalt  }
0x6e: {  	_ =	shalt  }
0x6f: {  	_ =	shalt  }
0x70: {  	_ =	shalt  }
0x71: {  	_ =	shalt  }
0x72: {  	_ =	shalt  }
0x73: {  	_ =	shalt  }
0x74: {  	_ =	shalt  }
0x75: {  	_ =	shalt  }
0x76: {  	_ =	shalt  }
0x77: {  	_ =	shalt  }
0x78: {  	_ =	shalt  }
0x79: {  	_ =	shalt  }
0x7a: {  	_ =	shalt  }
0x7b: {  	_ =	shalt  }
0x7c: {  	_ =	shalt  }
0x7d: {  	_ =	shalt  }
0x7e: {  	_ =	shalt  }
0x7f: {  	_ =	shalt  }
0x80: {  	_ =	shalt  }
0x81: {  	_ =	shalt  }
0x82: {  	_ =	shalt  }
0x83: {  	_ =	shalt  }
0x84: {  	_ =	shalt  }
0x85: {  	_ =	shalt  }
0x86: {  	_ =	shalt  }
0x87: {  	_ =	shalt  }
.Lfunc_end0:
.L_simem_size_0:
called_computation.4_lowered:
.L_overlay_start_0:
0x88: {  	s2 =	sld [smem:$0x3FD9]  }
0x89: {  	s3 =	sld [smem:$0x3FFE];
	_ =	sdelay $0x1  }
0x8a: {  	s1 =	srdreg.scid  }
0x8b: {  	s0 =	sand.u32 $0x1, s1  }
0x8c: {  	s16 =	sshll.u32 s0, $0xA;
	s2 =	sadd.s32 s3, s2  }
0x8d: {  	s2 =	sadd.s32 s2, s16  }
0x8e: {  	[smem:$0x3FC0] =	sst s2  }
0x8f: {  	_ = 	snop  }
0x90: {  	(tm) =	ssettm $0x1  }
0x91: {  	s17 =	sld [smem:$0x3FFB];
	_ =	sdelay $0x3  }
0x92: {  	_ =	strace s17  }
0x93: {  	s2 =	sld [smem:$0x3FFC];
	_ =	sdelay $0x3  }
0x94: {  	_ =	strace s2  }
0x95: {  	s2 =	sld [smem:$0x3FFD];
	_ =	sdelay $0x3  }
0x96: {  	_ =	strace s2  }
0x97: {  	_ =	strace $0x8FFFFFFF  }
0x98: {  	s18 =	sld [smem:$0x3FDB];
	_ =	sdelay $0x1  }
0x99: {  	s19 =	simm.s32 $_scs_section_size  }
0x9a: {  	s4 =	simm.s32 $_size__tile_overlayer_lowered;
	s5 =	simm.s32 $_tile_overlayer_lowered  }
0x9b: {  	s22 =	simm.s32 $0x1BFF;
	s21 =	sshll.u32 s5, $0x1;
	s2 =	sadd.s32 s19, s18  }
0x9c: {  	s6 =	simm.s32 $0x0;
	s20 =	sshll.u32 s4, $0x1;
	s4 =	sadd.s32 s21, s2  }
0x9d: {  	[timem:s6], [sflag:s22] =	dma.local [hbm:s4], s20  }
0x9e: {  	_ =	swait.ge [sflag:s22], s20  }
0x9f: {  	s3 =	ssub.s32 $0x0, s20;
	[sflag:s22] =	ssyncset.done $0x0  }
0xa0: {  	[sflag:s22] =	ssyncadd.s32 s3;
	_ =	sdelay $0x1  }
0xa1: {  	s23 =	simm.s32 $0x1B8B  }
0xa2: {  	_ =	swait.ge [sflag:s23], $0x1  }
0xa3: {  	[sflag:s23] =	ssyncset.done $0x0  }
0xa4: {  	s25 =	simm.s32 $0x1B8E;
	s24 =	sld [smem:$0x3FFE];
	[sflag:s23] =	ssyncadd.s32 $0xFFFFFFFF  }
0xa5: {  	s26 =	simm.s32 $execute0_lowered;
	[smem:$0x3FD2] =	sst s25  }
0xa6: {  	s4 =	sshll.u32 s26, $0x1;
	_ =	strace $0x80000052;
	[dreg:$0x1] =	wrdreg $0xFFFFFFFF  }
0xa7: {  	s28 =	simm.s32 $_size_execute0_lowered;
	s2 =	sadd.s32 s2, s4;
	[dreg:$0x0] =	wrdreg $0x0  }
0xa8: {  	s4 =	sshll.u32 s28, $0x1;
	[dreg:$0x2] =	wrdreg s2  }
0xa9: {  	[dreg:$0x3] =	wrdreg s4  }
0xaa: {  	[dreg:$0x4] =	wrdreg $0xC0  }
0xab: {  	_ =	task [dreg:s6], $0x5FFFF  }
0xac: {  	[dreg:$0x1] =	wrdreg $0xFFFFFFFF  }
0xad: {  	[dreg:$0x0] =	wrdreg $0x60  }
0xae: {  	[dreg:$0x2] =	wrdreg s24  }
0xaf: {  	[dreg:$0x3] =	wrdreg $0x90000  }
0xb0: {  	[dreg:$0x4] =	wrdreg $0x9  }
0xb1: {  	_ =	task.clear_ibuf [dreg:s6], $0x5FFFF;
	_ =	strace $0x90000052  }
0xb2: {  	s29 =	simm.s32 $0x9;
	_ =	strace $0x80000054  }
0xb3: {  	_ =	swait.ge [sflag:s29], $0x1  }
0xb4: {  	[sflag:s29] =	ssyncadd.s32 $0xFFFFFFFF  }
0xb5: {  	_ =	strace $0x90000054  }
0xb6: {  	_ =	sfence  }
0xb7: {  	s30 =	sld [smem:$0x0];
	_ =	sdelay $0x2  }
0xb8: {  	s31 =	sshll.u32 s1, $0xD;
	s1 =	sshrl.u32 s1, $0x2  }
0xb9: {  	s3 =	sand.u32 $0x4000, s31;
	s1 =	sadd.s32 s1, s30  }
0xba: {  	s0 =	sor.u32 s3, s0;
	s1 =	sshll.u32 s1, $0x11  }
0xbb: {  	s0 =	sor.u32 s1, s0  }
0xbc: {  	s0 =	sadd.s32 $0x8F2B, s0  }
0xbd: {  	[sflag:s0] =	ssyncadd.remote.s32 $0x1  }
0xbe: {  	_ =	sfence.sel $0xFFFF  }
0xbf: {  	[dreg:$0x0] =	wrdreg $0xFFFFFFFF;
	(pc) =	sbr.abs _section_cstart, $3  }
0xc0: {  	[dreg:$0x1] =	wrdreg $0xFFFFFFFF  }
0xc1: {  	_ =	task.clear_ibuf [dreg:s6], $0x2FFFF;
	_ =	strace $0x9FFFFFFF  }
0xc2: {  	(tm) =	ssettm $0x7FFFFFFF  }
0xc3: {  	_ =	shalt  }
tec
execute0_lowered:
.L_overlay_start_1:
0x0: {  	(tag) =	ssettag $0x1  }
0x1: {  	s5 =	rddreg [dreg:$0x0]  }
0x2: {  	s2 =	rddreg [dreg:$0x1]  }
0x3: {  	s0 =	rddreg [dreg:$0x2];
	s3 =	simm.s32 $0x0;
	s1 =	stileid.u32  }
0x4: {  	s4 =	srdreg.scid;
	s14 =	simm.s32 $0x80;
	s15 =	simm.s32 $0x5000  }
0x5: {  	s16 =	simm.s32 $0x1;
	s17 =	simm.s32 $0x0;
	[smem:$0x7FF] =	sst s3  }
0x6: {  	s6 =	smul.u32 $0x14000, s1;
	s7 =	sand.u32 $0x1, s4;
	s28 =	sshll.u32 s1, $0x1  }
0x7: {  	s4 =	sadd.s32 $0x22000, s5;
	s29 =	smul.u32 $0x50000, s1;
	s31 =	sshll.u32 s1, $0x6  }
0x8: {  	_ =	strace $0x80000053;
	s9 =	sor.u32 s7, s28;
	s10 =	smul.u32 $0x140000, s7  }
0x9: {  	s7 =	ssub.s32 $0x2, s7;
	s8 =	sshrl.u32 s6, $0x3;
	s9 =	smul.u32 $0x500, s9  }
0xa: {  	s11 =	sshrl.u32 s7, $0x1;
	s30 =	sshrl.u32 s29, $0x2;
	s8 =	sadd.s32 s8, s5  }
0xb: {  	s6 =	sadd.s32 s6, s10;
	s11 =	ssub.s32 s7, s11;
	s13 =	sadd.s32 s30, s2  }
0xc: {  	s9 =	sadd.s32 s9, s5;
	s6 =	sshrl.u32 s6, $0x3;
	s10 =	smax.u32 s11, $0x1  }
0xd: {  	s11 =	sshrl.u32 s13, $0x3;
	s13 =	simm.s32 $0x2800;
	s12 =	sadd.s32 s6, s5  }
0xe: {  	s5 =	sadd.s32 $0x4A000, s8;
	s6 =	sor.u32 $0x1C02, s31;
	s7 =	sadd.s32 $0x18000, s9  }
0xf: {  	s8 =	sadd.s32 $0x3600, s9;
	s9 =	sadd.s32 $0x72000, s12;
	s12 =	simm.s32 $0x2  }
.LBB2_1:
0x10: {  	[spmem:s11], [sflag:s6] =	dma.local [hbm:s5], $0x2800  }
0x11: {  	_ =	swait.ge [sflag:s12], $0x2800  }
0x12: {  	[sflag:s12] =	ssyncset.done $0x0  }
0x13: {  	[sflag:s12] =	ssyncadd.s32 $0xFFFFD800  }
0x14: {  	[tilespmem:s3], [sflag:$0x2] =	stream.linear.gather [hbm4b:s7+s3], $0x2780, $0x38;
	[tilespmem:$0x1D000] =	vst v63  }
0x15: {  	_ =	swait.ge [sflag:s12], $0x2780  }
0x16: {  	[sflag:s12] =	ssyncset.done $0x0  }
0x17: {  	[sflag:s12] =	ssyncadd.s32 $0xFFFFD880  }
0x18: {  	[tilespmem:s13], [sflag:$0x2] =	stream.linear.gather [hbm4b:s8+s3], $0x2780, $0x38;
	[tilespmem:$0x1D000] =	vst v63  }
0x19: {  	_ =	swait.ge [sflag:s12], $0x2780  }
0x1a: {  	[sflag:s12] =	ssyncset.done $0x0  }
0x1b: {  	[sflag:s12] =	ssyncadd.s32 $0xFFFFD880  }
0x1c: {  	s18 =	simm.s32 $0x0;
	[bflag:$0x0] =	sbarrier.arrive $0xFFFF  }
0x1d: {  	[tilespmem:s15], [sflag:$0x1] =	stream.indirect.gather [hbm4b:s4+s14], $0x80, s18, s14, $0xb8;
	[tilespmem:$0x1D000] =	vst v63  }
0x1e: {  	_ =	swait.ge [sflag:s16], $0x4000  }
0x1f: {  	[sflag:s16] =	ssyncset.done $0x0  }
0x20: {  	s31 =	simm.s32 $0x2800;
	[sflag:s16] =	ssyncadd.s32 $0xFFFFC000  }
0x21: {  	[spmem:s2] =	stream.indirect.scatter.add.f32 [tilespmem:s15], [sflag:$0x2], $0x80, s31, s14, $0xb8;
	[tilespmem:$0x1D000] =	vst v63  }
0x22: {  	_ =	swait.ge [sflag:s12], $0x4000  }
0x23: {  	s19 =	simm.s32 $0x400;
	s18 =	simm.s32 $0x200;
	[sflag:s12] =	ssyncset.done $0x0  }
.LBB2_2:
0x24: {  	s20 =	sshra.s32 s18, $0x2  }
0x25: {  	[sflag:s12] =	ssyncadd.s32 $0xFFFFC000;
	s18 =	smov.u32 s19;
	s21 =	sadd.s32 $0x200, s19  }
0x26: {  	[tilespmem:s15], [sflag:$0x1] =	stream.indirect.gather [hbm4b:s4+s14], $0x80, s20, s14, $0xb8;
	[tilespmem:$0x1D000] =	vst v63  }
0x27: {  	p0 =	sne.s32 s19, $0x9C00;
	_ =	swait.ge [sflag:s16], $0x4000  }
.Ltmp0:
0x28: {  	[sflag:s16] =	ssyncset.done $0x0;
	(pc) =	sbr.rel @p0 .LBB2_2-.Ltmp0, $4  }
0x29: {  	s19 =	sadd.s32 $0x2800, s20;
	[sflag:s16] =	ssyncadd.s32 $0xFFFFC000  }
0x2a: {  	[spmem:s2] =	stream.indirect.scatter.add.f32 [tilespmem:s15], [sflag:$0x2], $0x80, s19, s14, $0xb8;
	[tilespmem:$0x1D000] =	vst v63  }
0x2b: {  	_ =	swait.ge [sflag:s12], $0x4000  }
0x2c: {  	s19 =	smov.u32 s21;
	[sflag:s12] =	ssyncset.done $0x0  }
0x2d: {  	s18 =	sshra.s32 s18, $0x2;
	[sflag:s12] =	ssyncadd.s32 $0xFFFFC000  }
0x2e: {  	[tilespmem:s15], [sflag:$0x1] =	stream.indirect.gather [hbm4b:s4+s14], $0x80, s18, s14, $0xb8;
	[tilespmem:$0x1D000] =	vst v63  }
0x2f: {  	_ =	swait.ge [sflag:s16], $0x4000  }
0x30: {  	[sflag:s16] =	ssyncset.done $0x0  }
0x31: {  	s18 =	sadd.s32 $0x2800, s18;
	[sflag:s16] =	ssyncadd.s32 $0xFFFFC000  }
0x32: {  	[spmem:s2] =	stream.indirect.scatter.add.f32 [tilespmem:s15], [sflag:$0x2], $0x80, s18, s14, $0xb8;
	[tilespmem:$0x1D000] =	vst v63  }
0x33: {  	_ =	swait.ge [sflag:s12], $0x4000  }
0x34: {  	s17 =	sadd.s32 $0x1, s17;
	[sflag:s12] =	ssyncset.done $0x0  }
0x35: {  	p0 =	sne.s32 s17, s10;
	[sflag:s12] =	ssyncadd.s32 $0xFFFFC000  }
.Ltmp1:
0x36: {  	[bflag:$0x0] =	sbarrier.arrive $0xFFFF;
	(pc) =	sbr.rel @p0 .LBB2_1-.Ltmp1, $4  }
0x37: {  	[hbm:s9], [sflag:s6] =	dma.local [spmem:s11], $0x2800  }
0x38: {  	_ =	swait.ge [sflag:s12], $0x2800  }
0x39: {  	[sflag:s12] =	ssyncset.done $0x0  }
0x3a: {  	[sflag:s12] =	ssyncadd.s32 $0xFFFFD800  }
0x3b: {  	_ =	sfence.sel $0x180000  }
0x3c: {  	[bflag:$0x0] =	sbarrier.arrive $0xFFFF  }
0x3d: {  	p0 =	sne.s32 s1, $0x0;
	_ =	strace $0x90000053  }
0x3e: {  	s0 =	sadd.s32 @!p0 $0x100000, s0;
	[bflag:$0x2] =	sbarrier.arrive $0xFFFF  }
0x3f: {  	[sflag:s0] =	ssyncadd.tile.s32 @!p0 $0x1;
	_ =	shalt  }
.Lfunc_end2:
_tile_overlayer_lowered:
.L_overlay_start_2:
0x40: {  	(tag) =	ssettag $0x2  }
0x41: {  	s0 =	rddreg [dreg:$0x0];
	s2 =	stileid.u32  }
0x42: {  	s1 =	rddreg [dreg:$0x1];
	p0 =	sne.s32 s2, $0x0  }
0x43: {  	s3 =	rddreg [dreg:$0x2];
	[bflag:$0x3] =	sbarrier.arrive $0xFFFF;
	s2 =	simm.s32 @!p0 $0x1C02  }
0x44: {  	[timem:s3], [sflag:s2] =	dma.local @!p0 [hbm:s0], s1  }
0x45: {  	s0 =	simm.s32 @!p0 $0x2  }
0x46: {  	_ =	swait.ge @!p0 [sflag:s0], s1  }
0x47: {  	s1 =	ssub.s32 @!p0 $0x0, s1;
	[sflag:s0] =	ssyncset.done @!p0 $0x0  }
0x48: {  	[sflag:s0] =	ssyncadd.s32 @!p0 s1  }
0x49: {  	[bflag:$0x3] =	sbarrier.arrive $0xFFFF  }
0x4a: {  	_ =	shalt  }

</sc_bundles>
